<compile_context>
chip_gen: v7x
topology: tpu7x:2x2x1
jax: 0.10.2.dev20260603
libtpu: 0.0.44.dev20260713+nightly
codegen_flags: <defaults>
</compile_context>

<pallas_src>
import functools

import jax
import jax.numpy as jnp
from jax import lax
from jax.experimental import pallas as pl
from jax.experimental.pallas import tpu as pltpu
from jax.experimental.pallas import tpu_sc as plsc

N_SRC = 10000
N_DST = 10000
E = 320000
D_FEAT = 128
D_EDGE = 16

NC = 2
NS = 16
NW = NC * NS
CH = 128
NCHUNK = E // CH
RCH = 128
NRCH = (N_DST + RCH - 1) // RCH
RTAIL = N_DST - (NRCH - 1) * RCH
NFULL = NCHUNK // NW * NW
JFULL = NCHUNK // NW


def _sc_body(y_hbm, m_hbm, sidx_hbm, didx_hbm, zg_hbm,
             t_out,
             s0, s1, d0, d1, r0, r1,
             t_sh, sl0, sl1, sg0, sg1, ss0, ss1):
    cid = lax.axis_index("c")
    sid = lax.axis_index("s")
    w = sid * NC + cid

    rows = (r0, r1)
    sem_g = (sg0, sg1)
    sem_s = (ss0, ss1)

    pltpu.sync_copy(zg_hbm, r0)

    def zbody(j, carry):
        k = j * NS + sid
        z0 = k * RCH

        @pl.when(k < NRCH - 1)
        def _():
            pltpu.sync_copy(r0, t_sh.at[pl.ds(z0, RCH)])

        @pl.when(k == NRCH - 1)
        def _():
            pltpu.sync_copy(r0.at[pl.ds(0, RTAIL)],
                            t_sh.at[pl.ds(z0, RTAIL)])

        return carry

    lax.fori_loop(0, (NRCH + NS - 1) // NS, zbody, 0)
    plsc.subcore_barrier()

    mbufs = ((d0, r0, sl0, ss0), (d1, r1, sl1, ss1))

    def issue_loads_m(buf, c):
        dv, rv, sl, _ = buf
        e0 = c * CH
        pltpu.async_copy(didx_hbm.at[pl.ds(e0, CH)], dv, sl)
        pltpu.async_copy(m_hbm.at[pl.ds(e0, CH)], rv, sl)

    def wait_loads_m(buf, c):
        dv, rv, sl, _ = buf
        e0 = c * CH
        pltpu.make_async_copy(didx_hbm.at[pl.ds(e0, CH)], dv, sl).wait()
        pltpu.make_async_copy(m_hbm.at[pl.ds(e0, CH)], rv, sl).wait()

    issue_loads_m(mbufs[0], w)

    def mbody(u, carry):
        for b in (0, 1):
            buf = mbufs[b]
            j = 2 * u + b
            c = j * NW + w
            dv, rv, _, ss = buf

            @pl.when(j >= 2)
            def _():
                pltpu.make_async_copy(rv, t_sh.at[dv], ss).wait()

            wait_loads_m(buf, c)

            @pl.when(j + 1 < JFULL)
            def _():
                issue_loads_m(mbufs[1 - b], (j + 1) * NW + w)

            pltpu.async_copy(rv, t_sh.at[dv], ss, add=True)
        return carry

    lax.fori_loop(0, JFULL // 2, mbody, 0)
    pltpu.make_async_copy(r0, t_sh.at[d0], ss0).wait()
    pltpu.make_async_copy(r1, t_sh.at[d1], ss1).wait()

    @pl.when(w < NCHUNK - NFULL)
    def _():
        e0 = (NFULL + w) * CH
        pltpu.sync_copy(didx_hbm.at[pl.ds(e0, CH)], d0)
        pltpu.sync_copy(m_hbm.at[pl.ds(e0, CH)], r0)
        pltpu.sync_copy(r0, t_sh.at[d0], add=True)

    def issue_loads_y(buf, c):
        sv, dv, sl = buf
        e0 = c * CH
        pltpu.async_copy(sidx_hbm.at[pl.ds(e0, CH)], sv, sl)
        pltpu.async_copy(didx_hbm.at[pl.ds(e0, CH)], dv, sl)

    def wait_loads_y(buf, c):
        sv, dv, sl = buf
        e0 = c * CH
        pltpu.make_async_copy(sidx_hbm.at[pl.ds(e0, CH)], sv, sl).wait()
        pltpu.make_async_copy(didx_hbm.at[pl.ds(e0, CH)], dv, sl).wait()

    ybufs = ((s0, d0, sl0), (s1, d1, sl1))
    issue_loads_y(ybufs[0], w)

    def ybody(u, carry):
        for b in (0, 1):
            sv, dv, sl = ybufs[b]
            rv = rows[b]
            ss = sem_s[b]
            j = 2 * u + b
            c = j * NW + w

            @pl.when(j >= 2)
            def _():
                pltpu.make_async_copy(rv, t_sh.at[dv], ss).wait()

            wait_loads_y(ybufs[b], c)

            @pl.when(j + 1 < JFULL)
            def _():
                issue_loads_y(ybufs[1 - b], (j + 1) * NW + w)

            pltpu.async_copy(y_hbm.at[sv], rv, sem_g[b]).wait()
            pltpu.async_copy(rv, t_sh.at[dv], ss, add=True)
        return carry

    lax.fori_loop(0, JFULL // 2, ybody, 0)
    pltpu.make_async_copy(r0, t_sh.at[d0], ss0).wait()
    pltpu.make_async_copy(r1, t_sh.at[d1], ss1).wait()

    @pl.when(w < NCHUNK - NFULL)
    def _():
        c = NFULL + w
        e0 = c * CH
        pltpu.sync_copy(sidx_hbm.at[pl.ds(e0, CH)], s0)
        pltpu.sync_copy(didx_hbm.at[pl.ds(e0, CH)], d0)
        pltpu.async_copy(y_hbm.at[s0], r0, sg0).wait()
        pltpu.sync_copy(r0, t_sh.at[d0], add=True)

    plsc.subcore_barrier()

    def obody(j, carry):
        k = j * NS + sid
        z0 = k * RCH
        ob = cid * N_DST + z0

        @pl.when(k < NRCH - 1)
        def _():
            pltpu.sync_copy(t_sh.at[pl.ds(z0, RCH)], r0)
            pltpu.sync_copy(r0, t_out.at[pl.ds(ob, RCH)])

        @pl.when(k == NRCH - 1)
        def _():
            pltpu.sync_copy(t_sh.at[pl.ds(z0, RTAIL)],
                            r0.at[pl.ds(0, RTAIL)])
            pltpu.sync_copy(r0.at[pl.ds(0, RTAIL)],
                            t_out.at[pl.ds(ob, RTAIL)])

        return carry

    lax.fori_loop(0, (NRCH + NS - 1) // NS, obody, 0)


_sc_call = functools.partial(
    pl.kernel,
    out_type=jax.ShapeDtypeStruct((NC * N_DST, D_FEAT), jnp.float32),
    mesh=plsc.VectorSubcoreMesh(core_axis_name="c", subcore_axis_name="s"),
    scratch_types=(
        [pltpu.VMEM((CH,), jnp.int32)] * 4
        + [pltpu.VMEM((CH, D_FEAT), jnp.float32)] * 2
        + [pltpu.VMEM_SHARED((N_DST, D_FEAT), jnp.float32)]
        + [pltpu.SemaphoreType.DMA] * 6
    ),
)(_sc_body)


def _y_body(xs, ws, y):
    y[...] = jnp.dot(xs[...], ws[...], preferred_element_type=jnp.float32)


def _m_body(eat, we, m):
    m[...] = lax.dot_general(
        eat[...], we[...], (((0,), (0,)), ((), ())),
        preferred_element_type=jnp.float32)


def _out_body(xd, t0, t1, out):
    out[...] = xd[...] + (t0[...] + t1[...])


_BM = 1000
_BE = 3200


def _tc_y(x_src, W_src):
    return pl.pallas_call(
        _y_body,
        grid=(N_SRC // _BM,),
        in_specs=[
            pl.BlockSpec((_BM, D_FEAT), lambda i: (i, 0)),
            pl.BlockSpec((D_FEAT, D_FEAT), lambda i: (0, 0)),
        ],
        out_specs=pl.BlockSpec((_BM, D_FEAT), lambda i: (i, 0)),
        out_shape=jax.ShapeDtypeStruct((N_SRC, D_FEAT), jnp.float32),
    )(x_src, W_src)


def _tc_m(edge_attr, W_edge):
    return pl.pallas_call(
        _m_body,
        grid=(E // _BE,),
        in_specs=[
            pl.BlockSpec((D_EDGE, _BE), lambda i: (0, i)),
            pl.BlockSpec((D_EDGE, D_FEAT), lambda i: (0, 0)),
        ],
        out_specs=pl.BlockSpec((_BE, D_FEAT), lambda i: (i, 0)),
        out_shape=jax.ShapeDtypeStruct((E, D_FEAT), jnp.float32),
    )(edge_attr.T, W_edge)


def _tc_post(x_dst, t0, t1):
    return pl.pallas_call(
        _out_body,
        grid=(N_DST // _BM,),
        in_specs=[pl.BlockSpec((_BM, D_FEAT), lambda i: (i, 0))] * 3,
        out_specs=pl.BlockSpec((_BM, D_FEAT), lambda i: (i, 0)),
        out_shape=jax.ShapeDtypeStruct((N_DST, D_FEAT), jnp.float32),
    )(x_dst, t0, t1)


def kernel(x_src, x_dst, edge_attr, edge_index, W_src, W_edge):
    src = edge_index[0].astype(jnp.int32)
    dst = edge_index[1].astype(jnp.int32)
    zg = jnp.zeros((CH, D_FEAT), jnp.float32)

    y = _tc_y(x_src, W_src)
    m = _tc_m(edge_attr, W_edge)
    t = _sc_call(y, m, src, dst, zg)

    return _tc_post(x_dst, t[:N_DST], t[N_DST:])

# --- scband reference (transcript-rebuilt; emitter-appended) ---
"""Pipeline reference for scband-directed-bipartite-message-passing-23467701305367 (READ-ONLY COPY).

The authoritative reference and input builder live on the scoring server;
editing this copy changes nothing except your own understanding.
"""

import jax, jax.numpy as jnp
import numpy as np

N_SRC = 10000
N_DST = 10000
E = 320000
D_FEAT = 128
D_EDGE = 16


def setup_inputs(seed: int = 0) -> dict:
    key = jax.random.key(seed)
    k1, k2, k3, k4, k5, k6 = jax.random.split(key, 6)
    x_src = jax.random.normal(k1, (N_SRC, D_FEAT), dtype=jnp.float32)
    x_dst = jax.random.normal(k2, (N_DST, D_FEAT), dtype=jnp.float32)
    edge_attr = jax.random.normal(k3, (E, D_EDGE), dtype=jnp.float32)
    edge_index = jax.random.randint(k4, (2, E), 0, N_SRC, dtype=jnp.int64)
    # Learned parameters for the concrete message function (see notes):
    # message = x_src[edge_index[0]] @ W_src + edge_attr @ W_edge
    W_src = jax.random.normal(k5, (D_FEAT, D_FEAT), dtype=jnp.float32) * (1.0 / np.sqrt(D_FEAT))
    W_edge = jax.random.normal(k6, (D_EDGE, D_FEAT), dtype=jnp.float32) * (1.0 / np.sqrt(D_EDGE))
    return {"x_src": x_src, "x_dst": x_dst, "edge_attr": edge_attr, "edge_index": edge_index, "W_src": W_src, "W_edge": W_edge}


def reference(x_src, x_dst, edge_attr, edge_index, W_src, W_edge):
    # propagate():
    x_src_expanded = jnp.take(x_src, edge_index[0], axis=0)      # gather src features per edge
    x_dst_expanded = jnp.take(x_dst, edge_index[1], axis=0)      # gather dst features per edge (kept for fidelity)
    index = edge_index[1]
    # message(): concrete linear message combining src features and edge attributes
    messages = x_src_expanded @ W_src + edge_attr @ W_edge       # [E, D_FEAT]
    # aggregate(): SumAggregation over destination index (scatter-add)
    aggr_messages = jax.ops.segment_sum(messages, index, num_segments=x_dst.shape[0])
    # update(): residual combine with destination node features
    return x_dst + aggr_messages

if __name__ == "__main__":
    import jax
    _d = setup_inputs()
    print(jax.jit(kernel)(*tuple(_d.values())))

</pallas_src>

<mosaic_0001>
#map = affine_map<(d0, d1) -> (0, 0)>
#map1 = affine_map<(d0, d1) -> (0)>
module attributes {stable_mosaic.version = 14 : i64} {
  func.func @_sc_body(%arg0: i32, %arg1: i32, %arg2: memref<10000x128xf32, #tpu.memory_space<hbm>>, %arg3: memref<320000x128xf32, #tpu.memory_space<hbm>>, %arg4: memref<320000xi32, #tpu.memory_space<hbm>>, %arg5: memref<320000xi32, #tpu.memory_space<hbm>>, %arg6: memref<128x128xf32, #tpu.memory_space<hbm>>, %arg7: memref<20000x128xf32, #tpu.memory_space<hbm>>, %arg8: memref<128xi32, #tpu.memory_space<vmem>>, %arg9: memref<128xi32, #tpu.memory_space<vmem>>, %arg10: memref<128xi32, #tpu.memory_space<vmem>>, %arg11: memref<128xi32, #tpu.memory_space<vmem>>, %arg12: memref<128x128xf32, #tpu.memory_space<vmem>>, %arg13: memref<128x128xf32, #tpu.memory_space<vmem>>, %arg14: memref<10000x128xf32, #tpu.memory_space<vmem_shared>>, %arg15: memref<!tpu.dma_semaphore, #tpu.memory_space<semaphore_mem>>, %arg16: memref<!tpu.dma_semaphore, #tpu.memory_space<semaphore_mem>>, %arg17: memref<!tpu.dma_semaphore, #tpu.memory_space<semaphore_mem>>, %arg18: memref<!tpu.dma_semaphore, #tpu.memory_space<semaphore_mem>>, %arg19: memref<!tpu.dma_semaphore, #tpu.memory_space<semaphore_mem>>, %arg20: memref<!tpu.dma_semaphore, #tpu.memory_space<semaphore_mem>>) attributes {dimension_semantics = [#tpu.dimension_semantics<core_parallel>, #tpu.dimension_semantics<subcore_parallel>], iteration_bounds = array<i64: 2, 16>, scalar_prefetch = 0 : i64, scratch_operands = 13 : i64, tpu.core_type = #tpu.core_type<sc_vector_subcore>, window_params = [{transform_indices = #map}, {transform_indices = #map}, {transform_indices = #map1}, {transform_indices = #map1}, {transform_indices = #map}, {transform_indices = #map}]} {
    %mul3A = arith.constant 2 : i32
    %mul3A_0 = arith.muli %arg1, %mul3A : i32
    %add3A = arith.addi %mul3A_0, %arg0 : i32
    "tpu.region"() ({
      %run_scoped3A = tpu.sem_alloc : memref<!tpu.dma_semaphore, #tpu.memory_space<semaphore_mem>>
      tpu.enqueue_dma source(%arg6 : memref<128x128xf32, #tpu.memory_space<hbm>>) target(%arg12 : memref<128x128xf32, #tpu.memory_space<vmem>>) target_semaphore(%run_scoped3A : memref<!tpu.dma_semaphore, #tpu.memory_space<semaphore_mem>>)
      tpu.wait_dma2 semaphore(%run_scoped3A : memref<!tpu.dma_semaphore, #tpu.memory_space<semaphore_mem>>) src(%arg6 : memref<128x128xf32, #tpu.memory_space<hbm>>) dst(%arg12 : memref<128x128xf32, #tpu.memory_space<vmem>>)
      tpu.yield
    }) : () -> ()
    %scan3A = arith.constant 0 : i32
    %scan3A_1 = arith.constant 0 : i32
    %scan3A_2 = arith.constant 5 : i32
    %scan3A_3 = arith.addi %scan3A_1, %scan3A_2 : i32
    %scan3A_4 = arith.constant 1 : i32
    scf.for %scan3A_56 = %scan3A_1 to %scan3A_3 step %scan3A_4  : i32 {
      %mul3A_57 = arith.constant 16 : i32
      %mul3A_58 = arith.muli %scan3A_56, %mul3A_57 : i32
      %add3A_59 = arith.addi %mul3A_58, %arg1 : i32
      %mul3A_60 = arith.constant 128 : i32
      %mul3A_61 = arith.muli %add3A_59, %mul3A_60 : i32
      %lt3A_62 = arith.constant 78 : i32
      %lt3A_63 = arith.cmpi slt, %add3A_59, %lt3A_62 : i32
      %convert_element_type3A_64 = arith.extui %lt3A_63 : i1 to i32
      %cond3A_65 = arith.constant 0 : i32
      %cond3A_66 = arith.cmpi ne, %convert_element_type3A_64, %cond3A_65 : i32
      scf.if %cond3A_66 {
        "tpu.region"() ({
          %run_scoped3A = tpu.sem_alloc : memref<!tpu.dma_semaphore, #tpu.memory_space<semaphore_mem>>
          %dma_start3A_71 = arith.constant 0 : i32
          %dma_start3A_72 = tpu.memref_slice %arg14[%mul3A_61, %dma_start3A_71] : memref<10000x128xf32, #tpu.memory_space<vmem_shared>> -> memref<128x128xf32, #tpu.memory_space<vmem_shared>>
          %dma_start3A_73 = arith.constant 0 : i32
          %dma_start3A_74 = tpu.memref_slice %arg14[%mul3A_61, %dma_start3A_73] : memref<10000x128xf32, #tpu.memory_space<vmem_shared>> -> memref<128x128xf32, #tpu.memory_space<vmem_shared>>
          tpu.enqueue_dma source(%arg12 : memref<128x128xf32, #tpu.memory_space<vmem>>) target(%dma_start3A_74 : memref<128x128xf32, #tpu.memory_space<vmem_shared>>) target_semaphore(%run_scoped3A : memref<!tpu.dma_semaphore, #tpu.memory_space<semaphore_mem>>)
          %dma_wait3A_75 = arith.constant 0 : i32
          %dma_wait3A_76 = tpu.memref_slice %arg14[%mul3A_61, %dma_wait3A_75] : memref<10000x128xf32, #tpu.memory_space<vmem_shared>> -> memref<128x128xf32, #tpu.memory_space<vmem_shared>>
          %dma_wait3A_77 = arith.constant 0 : i32
          %dma_wait3A_78 = tpu.memref_slice %arg14[%mul3A_61, %dma_wait3A_77] : memref<10000x128xf32, #tpu.memory_space<vmem_shared>> -> memref<128x128xf32, #tpu.memory_space<vmem_shared>>
          tpu.wait_dma2 semaphore(%run_scoped3A : memref<!tpu.dma_semaphore, #tpu.memory_space<semaphore_mem>>) src(%arg12 : memref<128x128xf32, #tpu.memory_space<vmem>>) dst(%dma_wait3A_78 : memref<128x128xf32, #tpu.memory_space<vmem_shared>>)
          tpu.yield
        }) : () -> ()
      } else {
      }
      %eq3A = arith.constant 78 : i32
      %eq3A_67 = arith.cmpi eq, %add3A_59, %eq3A : i32
      %convert_element_type3A_68 = arith.extui %eq3A_67 : i1 to i32
      %cond3A_69 = arith.constant 0 : i32
      %cond3A_70 = arith.cmpi ne, %convert_element_type3A_68, %cond3A_69 : i32
      scf.if %cond3A_70 {
        "tpu.region"() ({
          %run_scoped3A = tpu.sem_alloc : memref<!tpu.dma_semaphore, #tpu.memory_space<semaphore_mem>>
          %dma_start3A_71 = arith.constant 0 : i32
          %dma_start3A_72 = arith.constant 0 : i32
          %dma_start3A_73 = tpu.memref_slice %arg12[%dma_start3A_71, %dma_start3A_72] : memref<128x128xf32, #tpu.memory_space<vmem>> -> memref<16x128xf32, #tpu.memory_space<vmem>>
          %dma_start3A_74 = arith.constant 0 : i32
          %dma_start3A_75 = tpu.memref_slice %arg14[%mul3A_61, %dma_start3A_74] : memref<10000x128xf32, #tpu.memory_space<vmem_shared>> -> memref<16x128xf32, #tpu.memory_space<vmem_shared>>
          %dma_start3A_76 = arith.constant 0 : i32
          %dma_start3A_77 = tpu.memref_slice %arg14[%mul3A_61, %dma_start3A_76] : memref<10000x128xf32, #tpu.memory_space<vmem_shared>> -> memref<16x128xf32, #tpu.memory_space<vmem_shared>>
          %dma_start3A_78 = arith.constant 0 : i32
          %dma_start3A_79 = arith.constant 0 : i32
          %dma_start3A_80 = tpu.memref_slice %arg12[%dma_start3A_78, %dma_start3A_79] : memref<128x128xf32, #tpu.memory_space<vmem>> -> memref<16x128xf32, #tpu.memory_space<vmem>>
          tpu.enqueue_dma source(%dma_start3A_80 : memref<16x128xf32, #tpu.memory_space<vmem>>) target(%dma_start3A_77 : memref<16x128xf32, #tpu.memory_space<vmem_shared>>) target_semaphore(%run_scoped3A : memref<!tpu.dma_semaphore, #tpu.memory_space<semaphore_mem>>)
          %dma_wait3A_81 = arith.constant 0 : i32
          %dma_wait3A_82 = arith.constant 0 : i32
          %dma_wait3A_83 = tpu.memref_slice %arg12[%dma_wait3A_81, %dma_wait3A_82] : memref<128x128xf32, #tpu.memory_space<vmem>> -> memref<16x128xf32, #tpu.memory_space<vmem>>
          %dma_wait3A_84 = arith.constant 0 : i32
          %dma_wait3A_85 = tpu.memref_slice %arg14[%mul3A_61, %dma_wait3A_84] : memref<10000x128xf32, #tpu.memory_space<vmem_shared>> -> memref<16x128xf32, #tpu.memory_space<vmem_shared>>
          %dma_wait3A_86 = arith.constant 0 : i32
          %dma_wait3A_87 = tpu.memref_slice %arg14[%mul3A_61, %dma_wait3A_86] : memref<10000x128xf32, #tpu.memory_space<vmem_shared>> -> memref<16x128xf32, #tpu.memory_space<vmem_shared>>
          %dma_wait3A_88 = arith.constant 0 : i32
          %dma_wait3A_89 = arith.constant 0 : i32
          %dma_wait3A_90 = tpu.memref_slice %arg12[%dma_wait3A_88, %dma_wait3A_89] : memref<128x128xf32, #tpu.memory_space<vmem>> -> memref<16x128xf32, #tpu.memory_space<vmem>>
          tpu.wait_dma2 semaphore(%run_scoped3A : memref<!tpu.dma_semaphore, #tpu.memory_space<semaphore_mem>>) src(%dma_wait3A_90 : memref<16x128xf32, #tpu.memory_space<vmem>>) dst(%dma_wait3A_87 : memref<16x128xf32, #tpu.memory_space<vmem_shared>>)
          tpu.yield
        }) : () -> ()
      } else {
      }
    }
    %scan3A_5 = arith.constant 5 : i32
    %barrier3A = arith.constant 0 : index
    tpu.barrier barrier_id(%barrier3A)
    %mul3A_6 = arith.constant 128 : i32
    %mul3A_7 = arith.muli %add3A, %mul3A_6 : i32
    %dma_start3A = tpu.memref_slice %arg5[%mul3A_7] : memref<320000xi32, #tpu.memory_space<hbm>> -> memref<128xi32, #tpu.memory_space<hbm>>
    %dma_start3A_8 = tpu.memref_slice %arg5[%mul3A_7] : memref<320000xi32, #tpu.memory_space<hbm>> -> memref<128xi32, #tpu.memory_space<hbm>>
    tpu.enqueue_dma source(%dma_start3A_8 : memref<128xi32, #tpu.memory_space<hbm>>) target(%arg10 : memref<128xi32, #tpu.memory_space<vmem>>) target_semaphore(%arg15 : memref<!tpu.dma_semaphore, #tpu.memory_space<semaphore_mem>>)
    %dma_start3A_9 = arith.constant 0 : i32
    %dma_start3A_10 = tpu.memref_slice %arg3[%mul3A_7, %dma_start3A_9] : memref<320000x128xf32, #tpu.memory_space<hbm>> -> memref<128x128xf32, #tpu.memory_space<hbm>>
    %dma_start3A_11 = arith.constant 0 : i32
    %dma_start3A_12 = tpu.memref_slice %arg3[%mul3A_7, %dma_start3A_11] : memref<320000x128xf32, #tpu.memory_space<hbm>> -> memref<128x128xf32, #tpu.memory_space<hbm>>
    tpu.enqueue_dma source(%dma_start3A_12 : memref<128x128xf32, #tpu.memory_space<hbm>>) target(%arg12 : memref<128x128xf32, #tpu.memory_space<vmem>>) target_semaphore(%arg15 : memref<!tpu.dma_semaphore, #tpu.memory_space<semaphore_mem>>)
    %scan3A_13 = arith.constant 0 : i32
    %scan3A_14 = arith.constant 0 : i32
    %scan3A_15 = arith.constant 39 : i32
    %scan3A_16 = arith.addi %scan3A_14, %scan3A_15 : i32
    %scan3A_17 = arith.constant 1 : i32
    scf.for %scan3A_56 = %scan3A_14 to %scan3A_16 step %scan3A_17  : i32 {
      %mul3A_57 = arith.constant 2 : i32
      %mul3A_58 = arith.muli %mul3A_57, %scan3A_56 : i32
      %add3A_59 = arith.constant 0 : i32
      %add3A_60 = arith.addi %mul3A_58, %add3A_59 : i32
      %mul3A_61 = arith.constant 32 : i32
      %mul3A_62 = arith.muli %add3A_60, %mul3A_61 : i32
      %add3A_63 = arith.addi %mul3A_62, %add3A : i32
      %ge3A = arith.constant 2 : i32
      %ge3A_64 = arith.cmpi sge, %add3A_60, %ge3A : i32
      %convert_element_type3A_65 = arith.extui %ge3A_64 : i1 to i32
      %cond3A_66 = arith.constant 0 : i32
      %cond3A_67 = arith.cmpi ne, %convert_element_type3A_65, %cond3A_66 : i32
      scf.if %cond3A_67 {
        %dma_wait3A_116 = arith.constant 0 : i32
        %dma_wait3A_117 = arith.constant 0 : i32
        %dma_wait3A_118 = tpu.memref_slice %arg14[%dma_wait3A_116, %dma_wait3A_117] : memref<10000x128xf32, #tpu.memory_space<vmem_shared>> -> memref<10000x128xf32, #tpu.memory_space<vmem_shared>>
        tpu.wait_indirect_dma semaphore(%arg19 : memref<!tpu.dma_semaphore, #tpu.memory_space<semaphore_mem>>) src(%arg12 : memref<128x128xf32, #tpu.memory_space<vmem>>) dst(%dma_wait3A_118 : memref<10000x128xf32, #tpu.memory_space<vmem_shared>>)
      } else {
      }
      %mul3A_68 = arith.constant 128 : i32
      %mul3A_69 = arith.muli %add3A_63, %mul3A_68 : i32
      %dma_wait3A_70 = tpu.memref_slice %arg5[%mul3A_69] : memref<320000xi32, #tpu.memory_space<hbm>> -> memref<128xi32, #tpu.memory_space<hbm>>
      %dma_wait3A_71 = tpu.memref_slice %arg5[%mul3A_69] : memref<320000xi32, #tpu.memory_space<hbm>> -> memref<128xi32, #tpu.memory_space<hbm>>
      tpu.wait_dma2 semaphore(%arg15 : memref<!tpu.dma_semaphore, #tpu.memory_space<semaphore_mem>>) src(%dma_wait3A_71 : memref<128xi32, #tpu.memory_space<hbm>>) dst(%arg10 : memref<128xi32, #tpu.memory_space<vmem>>)
      %dma_wait3A_72 = arith.constant 0 : i32
      %dma_wait3A_73 = tpu.memref_slice %arg3[%mul3A_69, %dma_wait3A_72] : memref<320000x128xf32, #tpu.memory_space<hbm>> -> memref<128x128xf32, #tpu.memory_space<hbm>>
      %dma_wait3A_74 = arith.constant 0 : i32
      %dma_wait3A_75 = tpu.memref_slice %arg3[%mul3A_69, %dma_wait3A_74] : memref<320000x128xf32, #tpu.memory_space<hbm>> -> memref<128x128xf32, #tpu.memory_space<hbm>>
      tpu.wait_dma2 semaphore(%arg15 : memref<!tpu.dma_semaphore, #tpu.memory_space<semaphore_mem>>) src(%dma_wait3A_75 : memref<128x128xf32, #tpu.memory_space<hbm>>) dst(%arg12 : memref<128x128xf32, #tpu.memory_space<vmem>>)
      %add3A_76 = arith.constant 1 : i32
      %add3A_77 = arith.addi %add3A_60, %add3A_76 : i32
      %lt3A_78 = arith.constant 78 : i32
      %lt3A_79 = arith.cmpi slt, %add3A_77, %lt3A_78 : i32
      %convert_element_type3A_80 = arith.extui %lt3A_79 : i1 to i32
      %cond3A_81 = arith.constant 0 : i32
      %cond3A_82 = arith.cmpi ne, %convert_element_type3A_80, %cond3A_81 : i32
      scf.if %cond3A_82 {
        %add3A_116 = arith.constant 1 : i32
        %add3A_117 = arith.addi %add3A_60, %add3A_116 : i32
        %mul3A_118 = arith.constant 32 : i32
        %mul3A_119 = arith.muli %add3A_117, %mul3A_118 : i32
        %add3A_120 = arith.addi %mul3A_119, %add3A : i32
        %mul3A_121 = arith.constant 128 : i32
        %mul3A_122 = arith.muli %add3A_120, %mul3A_121 : i32
        %dma_start3A_123 = tpu.memref_slice %arg5[%mul3A_122] : memref<320000xi32, #tpu.memory_space<hbm>> -> memref<128xi32, #tpu.memory_space<hbm>>
        %dma_start3A_124 = tpu.memref_slice %arg5[%mul3A_122] : memref<320000xi32, #tpu.memory_space<hbm>> -> memref<128xi32, #tpu.memory_space<hbm>>
        tpu.enqueue_dma source(%dma_start3A_124 : memref<128xi32, #tpu.memory_space<hbm>>) target(%arg11 : memref<128xi32, #tpu.memory_space<vmem>>) target_semaphore(%arg16 : memref<!tpu.dma_semaphore, #tpu.memory_space<semaphore_mem>>)
        %dma_start3A_125 = arith.constant 0 : i32
        %dma_start3A_126 = tpu.memref_slice %arg3[%mul3A_122, %dma_start3A_125] : memref<320000x128xf32, #tpu.memory_space<hbm>> -> memref<128x128xf32, #tpu.memory_space<hbm>>
        %dma_start3A_127 = arith.constant 0 : i32
        %dma_start3A_128 = tpu.memref_slice %arg3[%mul3A_122, %dma_start3A_127] : memref<320000x128xf32, #tpu.memory_space<hbm>> -> memref<128x128xf32, #tpu.memory_space<hbm>>
        tpu.enqueue_dma source(%dma_start3A_128 : memref<128x128xf32, #tpu.memory_space<hbm>>) target(%arg13 : memref<128x128xf32, #tpu.memory_space<vmem>>) target_semaphore(%arg16 : memref<!tpu.dma_semaphore, #tpu.memory_space<semaphore_mem>>)
      } else {
      }
      %dma_start3A_83 = arith.constant 0 : i32
      %dma_start3A_84 = arith.constant 0 : i32
      %dma_start3A_85 = tpu.memref_slice %arg14[%dma_start3A_83, %dma_start3A_84] : memref<10000x128xf32, #tpu.memory_space<vmem_shared>> -> memref<10000x128xf32, #tpu.memory_space<vmem_shared>>
      tpu.enqueue_indirect_dma source(%arg12 : memref<128x128xf32, #tpu.memory_space<vmem>>) target(%dma_start3A_85 : memref<10000x128xf32, #tpu.memory_space<vmem_shared>>) offsets(%arg10 : memref<128xi32, #tpu.memory_space<vmem>>) semaphore(%arg19 : memref<!tpu.dma_semaphore, #tpu.memory_space<semaphore_mem>>) {add = true}
      %mul3A_86 = arith.constant 2 : i32
      %mul3A_87 = arith.muli %mul3A_86, %scan3A_56 : i32
      %add3A_88 = arith.constant 1 : i32
      %add3A_89 = arith.addi %mul3A_87, %add3A_88 : i32
      %mul3A_90 = arith.constant 32 : i32
      %mul3A_91 = arith.muli %add3A_89, %mul3A_90 : i32
      %add3A_92 = arith.addi %mul3A_91, %add3A : i32
      %ge3A_93 = arith.constant 2 : i32
      %ge3A_94 = arith.cmpi sge, %add3A_89, %ge3A_93 : i32
      %convert_element_type3A_95 = arith.extui %ge3A_94 : i1 to i32
      %cond3A_96 = arith.constant 0 : i32
      %cond3A_97 = arith.cmpi ne, %convert_element_type3A_95, %cond3A_96 : i32
      scf.if %cond3A_97 {
        %dma_wait3A_116 = arith.constant 0 : i32
        %dma_wait3A_117 = arith.constant 0 : i32
        %dma_wait3A_118 = tpu.memref_slice %arg14[%dma_wait3A_116, %dma_wait3A_117] : memref<10000x128xf32, #tpu.memory_space<vmem_shared>> -> memref<10000x128xf32, #tpu.memory_space<vmem_shared>>
        tpu.wait_indirect_dma semaphore(%arg20 : memref<!tpu.dma_semaphore, #tpu.memory_space<semaphore_mem>>) src(%arg13 : memref<128x128xf32, #tpu.memory_space<vmem>>) dst(%dma_wait3A_118 : memref<10000x128xf32, #tpu.memory_space<vmem_shared>>)
      } else {
      }
      %mul3A_98 = arith.constant 128 : i32
      %mul3A_99 = arith.muli %add3A_92, %mul3A_98 : i32
      %dma_wait3A_100 = tpu.memref_slice %arg5[%mul3A_99] : memref<320000xi32, #tpu.memory_space<hbm>> -> memref<128xi32, #tpu.memory_space<hbm>>
      %dma_wait3A_101 = tpu.memref_slice %arg5[%mul3A_99] : memref<320000xi32, #tpu.memory_space<hbm>> -> memref<128xi32, #tpu.memory_space<hbm>>
      tpu.wait_dma2 semaphore(%arg16 : memref<!tpu.dma_semaphore, #tpu.memory_space<semaphore_mem>>) src(%dma_wait3A_101 : memref<128xi32, #tpu.memory_space<hbm>>) dst(%arg11 : memref<128xi32, #tpu.memory_space<vmem>>)
      %dma_wait3A_102 = arith.constant 0 : i32
      %dma_wait3A_103 = tpu.memref_slice %arg3[%mul3A_99, %dma_wait3A_102] : memref<320000x128xf32, #tpu.memory_space<hbm>> -> memref<128x128xf32, #tpu.memory_space<hbm>>
      %dma_wait3A_104 = arith.constant 0 : i32
      %dma_wait3A_105 = tpu.memref_slice %arg3[%mul3A_99, %dma_wait3A_104] : memref<320000x128xf32, #tpu.memory_space<hbm>> -> memref<128x128xf32, #tpu.memory_space<hbm>>
      tpu.wait_dma2 semaphore(%arg16 : memref<!tpu.dma_semaphore, #tpu.memory_space<semaphore_mem>>) src(%dma_wait3A_105 : memref<128x128xf32, #tpu.memory_space<hbm>>) dst(%arg13 : memref<128x128xf32, #tpu.memory_space<vmem>>)
      %add3A_106 = arith.constant 1 : i32
      %add3A_107 = arith.addi %add3A_89, %add3A_106 : i32
      %lt3A_108 = arith.constant 78 : i32
      %lt3A_109 = arith.cmpi slt, %add3A_107, %lt3A_108 : i32
      %convert_element_type3A_110 = arith.extui %lt3A_109 : i1 to i32
      %cond3A_111 = arith.constant 0 : i32
      %cond3A_112 = arith.cmpi ne, %convert_element_type3A_110, %cond3A_111 : i32
      scf.if %cond3A_112 {
        %add3A_116 = arith.constant 1 : i32
        %add3A_117 = arith.addi %add3A_89, %add3A_116 : i32
        %mul3A_118 = arith.constant 32 : i32
        %mul3A_119 = arith.muli %add3A_117, %mul3A_118 : i32
        %add3A_120 = arith.addi %mul3A_119, %add3A : i32
        %mul3A_121 = arith.constant 128 : i32
        %mul3A_122 = arith.muli %add3A_120, %mul3A_121 : i32
        %dma_start3A_123 = tpu.memref_slice %arg5[%mul3A_122] : memref<320000xi32, #tpu.memory_space<hbm>> -> memref<128xi32, #tpu.memory_space<hbm>>
        %dma_start3A_124 = tpu.memref_slice %arg5[%mul3A_122] : memref<320000xi32, #tpu.memory_space<hbm>> -> memref<128xi32, #tpu.memory_space<hbm>>
        tpu.enqueue_dma source(%dma_start3A_124 : memref<128xi32, #tpu.memory_space<hbm>>) target(%arg10 : memref<128xi32, #tpu.memory_space<vmem>>) target_semaphore(%arg15 : memref<!tpu.dma_semaphore, #tpu.memory_space<semaphore_mem>>)
        %dma_start3A_125 = arith.constant 0 : i32
        %dma_start3A_126 = tpu.memref_slice %arg3[%mul3A_122, %dma_start3A_125] : memref<320000x128xf32, #tpu.memory_space<hbm>> -> memref<128x128xf32, #tpu.memory_space<hbm>>
        %dma_start3A_127 = arith.constant 0 : i32
        %dma_start3A_128 = tpu.memref_slice %arg3[%mul3A_122, %dma_start3A_127] : memref<320000x128xf32, #tpu.memory_space<hbm>> -> memref<128x128xf32, #tpu.memory_space<hbm>>
        tpu.enqueue_dma source(%dma_start3A_128 : memref<128x128xf32, #tpu.memory_space<hbm>>) target(%arg12 : memref<128x128xf32, #tpu.memory_space<vmem>>) target_semaphore(%arg15 : memref<!tpu.dma_semaphore, #tpu.memory_space<semaphore_mem>>)
      } else {
      }
      %dma_start3A_113 = arith.constant 0 : i32
      %dma_start3A_114 = arith.constant 0 : i32
      %dma_start3A_115 = tpu.memref_slice %arg14[%dma_start3A_113, %dma_start3A_114] : memref<10000x128xf32, #tpu.memory_space<vmem_shared>> -> memref<10000x128xf32, #tpu.memory_space<vmem_shared>>
      tpu.enqueue_indirect_dma source(%arg13 : memref<128x128xf32, #tpu.memory_space<vmem>>) target(%dma_start3A_115 : memref<10000x128xf32, #tpu.memory_space<vmem_shared>>) offsets(%arg11 : memref<128xi32, #tpu.memory_space<vmem>>) semaphore(%arg20 : memref<!tpu.dma_semaphore, #tpu.memory_space<semaphore_mem>>) {add = true}
    }
    %scan3A_18 = arith.constant 39 : i32
    %dma_wait3A = arith.constant 0 : i32
    %dma_wait3A_19 = arith.constant 0 : i32
    %dma_wait3A_20 = tpu.memref_slice %arg14[%dma_wait3A, %dma_wait3A_19] : memref<10000x128xf32, #tpu.memory_space<vmem_shared>> -> memref<10000x128xf32, #tpu.memory_space<vmem_shared>>
    tpu.wait_indirect_dma semaphore(%arg19 : memref<!tpu.dma_semaphore, #tpu.memory_space<semaphore_mem>>) src(%arg12 : memref<128x128xf32, #tpu.memory_space<vmem>>) dst(%dma_wait3A_20 : memref<10000x128xf32, #tpu.memory_space<vmem_shared>>)
    %dma_wait3A_21 = arith.constant 0 : i32
    %dma_wait3A_22 = arith.constant 0 : i32
    %dma_wait3A_23 = tpu.memref_slice %arg14[%dma_wait3A_21, %dma_wait3A_22] : memref<10000x128xf32, #tpu.memory_space<vmem_shared>> -> memref<10000x128xf32, #tpu.memory_space<vmem_shared>>
    tpu.wait_indirect_dma semaphore(%arg20 : memref<!tpu.dma_semaphore, #tpu.memory_space<semaphore_mem>>) src(%arg13 : memref<128x128xf32, #tpu.memory_space<vmem>>) dst(%dma_wait3A_23 : memref<10000x128xf32, #tpu.memory_space<vmem_shared>>)
    %lt3A = arith.constant 4 : i32
    %lt3A_24 = arith.cmpi slt, %add3A, %lt3A : i32
    %convert_element_type3A = arith.extui %lt3A_24 : i1 to i32
    %cond3A = arith.constant 0 : i32
    %cond3A_25 = arith.cmpi ne, %convert_element_type3A, %cond3A : i32
    scf.if %cond3A_25 {
      %add3A_56 = arith.constant 2496 : i32
      %add3A_57 = arith.addi %add3A_56, %add3A : i32
      %mul3A_58 = arith.constant 128 : i32
      %mul3A_59 = arith.muli %add3A_57, %mul3A_58 : i32
      "tpu.region"() ({
        %run_scoped3A = tpu.sem_alloc : memref<!tpu.dma_semaphore, #tpu.memory_space<semaphore_mem>>
        %dma_start3A_60 = tpu.memref_slice %arg5[%mul3A_59] : memref<320000xi32, #tpu.memory_space<hbm>> -> memref<128xi32, #tpu.memory_space<hbm>>
        %dma_start3A_61 = tpu.memref_slice %arg5[%mul3A_59] : memref<320000xi32, #tpu.memory_space<hbm>> -> memref<128xi32, #tpu.memory_space<hbm>>
        tpu.enqueue_dma source(%dma_start3A_61 : memref<128xi32, #tpu.memory_space<hbm>>) target(%arg10 : memref<128xi32, #tpu.memory_space<vmem>>) target_semaphore(%run_scoped3A : memref<!tpu.dma_semaphore, #tpu.memory_space<semaphore_mem>>)
        %dma_wait3A_62 = tpu.memref_slice %arg5[%mul3A_59] : memref<320000xi32, #tpu.memory_space<hbm>> -> memref<128xi32, #tpu.memory_space<hbm>>
        %dma_wait3A_63 = tpu.memref_slice %arg5[%mul3A_59] : memref<320000xi32, #tpu.memory_space<hbm>> -> memref<128xi32, #tpu.memory_space<hbm>>
        tpu.wait_dma2 semaphore(%run_scoped3A : memref<!tpu.dma_semaphore, #tpu.memory_space<semaphore_mem>>) src(%dma_wait3A_63 : memref<128xi32, #tpu.memory_space<hbm>>) dst(%arg10 : memref<128xi32, #tpu.memory_space<vmem>>)
        tpu.yield
      }) : () -> ()
      "tpu.region"() ({
        %run_scoped3A = tpu.sem_alloc : memref<!tpu.dma_semaphore, #tpu.memory_space<semaphore_mem>>
        %dma_start3A_60 = arith.constant 0 : i32
        %dma_start3A_61 = tpu.memref_slice %arg3[%mul3A_59, %dma_start3A_60] : memref<320000x128xf32, #tpu.memory_space<hbm>> -> memref<128x128xf32, #tpu.memory_space<hbm>>
        %dma_start3A_62 = arith.constant 0 : i32
        %dma_start3A_63 = tpu.memref_slice %arg3[%mul3A_59, %dma_start3A_62] : memref<320000x128xf32, #tpu.memory_space<hbm>> -> memref<128x128xf32, #tpu.memory_space<hbm>>
        tpu.enqueue_dma source(%dma_start3A_63 : memref<128x128xf32, #tpu.memory_space<hbm>>) target(%arg12 : memref<128x128xf32, #tpu.memory_space<vmem>>) target_semaphore(%run_scoped3A : memref<!tpu.dma_semaphore, #tpu.memory_space<semaphore_mem>>)
        %dma_wait3A_64 = arith.constant 0 : i32
        %dma_wait3A_65 = tpu.memref_slice %arg3[%mul3A_59, %dma_wait3A_64] : memref<320000x128xf32, #tpu.memory_space<hbm>> -> memref<128x128xf32, #tpu.memory_space<hbm>>
        %dma_wait3A_66 = arith.constant 0 : i32
        %dma_wait3A_67 = tpu.memref_slice %arg3[%mul3A_59, %dma_wait3A_66] : memref<320000x128xf32, #tpu.memory_space<hbm>> -> memref<128x128xf32, #tpu.memory_space<hbm>>
        tpu.wait_dma2 semaphore(%run_scoped3A : memref<!tpu.dma_semaphore, #tpu.memory_space<semaphore_mem>>) src(%dma_wait3A_67 : memref<128x128xf32, #tpu.memory_space<hbm>>) dst(%arg12 : memref<128x128xf32, #tpu.memory_space<vmem>>)
        tpu.yield
      }) : () -> ()
      "tpu.region"() ({
        %run_scoped3A = tpu.sem_alloc : memref<!tpu.dma_semaphore, #tpu.memory_space<semaphore_mem>>
        %dma_start3A_60 = arith.constant 0 : i32
        %dma_start3A_61 = arith.constant 0 : i32
        %dma_start3A_62 = tpu.memref_slice %arg14[%dma_start3A_60, %dma_start3A_61] : memref<10000x128xf32, #tpu.memory_space<vmem_shared>> -> memref<10000x128xf32, #tpu.memory_space<vmem_shared>>
        tpu.enqueue_indirect_dma source(%arg12 : memref<128x128xf32, #tpu.memory_space<vmem>>) target(%dma_start3A_62 : memref<10000x128xf32, #tpu.memory_space<vmem_shared>>) offsets(%arg10 : memref<128xi32, #tpu.memory_space<vmem>>) semaphore(%run_scoped3A : memref<!tpu.dma_semaphore, #tpu.memory_space<semaphore_mem>>) {add = true}
        %dma_wait3A_63 = arith.constant 0 : i32
        %dma_wait3A_64 = arith.constant 0 : i32
        %dma_wait3A_65 = tpu.memref_slice %arg14[%dma_wait3A_63, %dma_wait3A_64] : memref<10000x128xf32, #tpu.memory_space<vmem_shared>> -> memref<10000x128xf32, #tpu.memory_space<vmem_shared>>
        tpu.wait_indirect_dma semaphore(%run_scoped3A : memref<!tpu.dma_semaphore, #tpu.memory_space<semaphore_mem>>) src(%arg12 : memref<128x128xf32, #tpu.memory_space<vmem>>) dst(%dma_wait3A_65 : memref<10000x128xf32, #tpu.memory_space<vmem_shared>>)
        tpu.yield
      }) : () -> ()
    } else {
    }
    %mul3A_26 = arith.constant 128 : i32
    %mul3A_27 = arith.muli %add3A, %mul3A_26 : i32
    %dma_start3A_28 = tpu.memref_slice %arg4[%mul3A_27] : memref<320000xi32, #tpu.memory_space<hbm>> -> memref<128xi32, #tpu.memory_space<hbm>>
    %dma_start3A_29 = tpu.memref_slice %arg4[%mul3A_27] : memref<320000xi32, #tpu.memory_space<hbm>> -> memref<128xi32, #tpu.memory_space<hbm>>
    tpu.enqueue_dma source(%dma_start3A_29 : memref<128xi32, #tpu.memory_space<hbm>>) target(%arg8 : memref<128xi32, #tpu.memory_space<vmem>>) target_semaphore(%arg15 : memref<!tpu.dma_semaphore, #tpu.memory_space<semaphore_mem>>)
    %dma_start3A_30 = tpu.memref_slice %arg5[%mul3A_27] : memref<320000xi32, #tpu.memory_space<hbm>> -> memref<128xi32, #tpu.memory_space<hbm>>
    %dma_start3A_31 = tpu.memref_slice %arg5[%mul3A_27] : memref<320000xi32, #tpu.memory_space<hbm>> -> memref<128xi32, #tpu.memory_space<hbm>>
    tpu.enqueue_dma source(%dma_start3A_31 : memref<128xi32, #tpu.memory_space<hbm>>) target(%arg10 : memref<128xi32, #tpu.memory_space<vmem>>) target_semaphore(%arg15 : memref<!tpu.dma_semaphore, #tpu.memory_space<semaphore_mem>>)
    %scan3A_32 = arith.constant 0 : i32
    %scan3A_33 = arith.constant 0 : i32
    %scan3A_34 = arith.constant 39 : i32
    %scan3A_35 = arith.addi %scan3A_33, %scan3A_34 : i32
    %scan3A_36 = arith.constant 1 : i32
    scf.for %scan3A_56 = %scan3A_33 to %scan3A_35 step %scan3A_36  : i32 {
      %mul3A_57 = arith.constant 2 : i32
      %mul3A_58 = arith.muli %mul3A_57, %scan3A_56 : i32
      %add3A_59 = arith.constant 0 : i32
      %add3A_60 = arith.addi %mul3A_58, %add3A_59 : i32
      %mul3A_61 = arith.constant 32 : i32
      %mul3A_62 = arith.muli %add3A_60, %mul3A_61 : i32
      %add3A_63 = arith.addi %mul3A_62, %add3A : i32
      %ge3A = arith.constant 2 : i32
      %ge3A_64 = arith.cmpi sge, %add3A_60, %ge3A : i32
      %convert_element_type3A_65 = arith.extui %ge3A_64 : i1 to i32
      %cond3A_66 = arith.constant 0 : i32
      %cond3A_67 = arith.cmpi ne, %convert_element_type3A_65, %cond3A_66 : i32
      scf.if %cond3A_67 {
        %dma_wait3A_124 = arith.constant 0 : i32
        %dma_wait3A_125 = arith.constant 0 : i32
        %dma_wait3A_126 = tpu.memref_slice %arg14[%dma_wait3A_124, %dma_wait3A_125] : memref<10000x128xf32, #tpu.memory_space<vmem_shared>> -> memref<10000x128xf32, #tpu.memory_space<vmem_shared>>
        tpu.wait_indirect_dma semaphore(%arg19 : memref<!tpu.dma_semaphore, #tpu.memory_space<semaphore_mem>>) src(%arg12 : memref<128x128xf32, #tpu.memory_space<vmem>>) dst(%dma_wait3A_126 : memref<10000x128xf32, #tpu.memory_space<vmem_shared>>)
      } else {
      }
      %mul3A_68 = arith.constant 128 : i32
      %mul3A_69 = arith.muli %add3A_63, %mul3A_68 : i32
      %dma_wait3A_70 = tpu.memref_slice %arg4[%mul3A_69] : memref<320000xi32, #tpu.memory_space<hbm>> -> memref<128xi32, #tpu.memory_space<hbm>>
      %dma_wait3A_71 = tpu.memref_slice %arg4[%mul3A_69] : memref<320000xi32, #tpu.memory_space<hbm>> -> memref<128xi32, #tpu.memory_space<hbm>>
      tpu.wait_dma2 semaphore(%arg15 : memref<!tpu.dma_semaphore, #tpu.memory_space<semaphore_mem>>) src(%dma_wait3A_71 : memref<128xi32, #tpu.memory_space<hbm>>) dst(%arg8 : memref<128xi32, #tpu.memory_space<vmem>>)
      %dma_wait3A_72 = tpu.memref_slice %arg5[%mul3A_69] : memref<320000xi32, #tpu.memory_space<hbm>> -> memref<128xi32, #tpu.memory_space<hbm>>
      %dma_wait3A_73 = tpu.memref_slice %arg5[%mul3A_69] : memref<320000xi32, #tpu.memory_space<hbm>> -> memref<128xi32, #tpu.memory_space<hbm>>
      tpu.wait_dma2 semaphore(%arg15 : memref<!tpu.dma_semaphore, #tpu.memory_space<semaphore_mem>>) src(%dma_wait3A_73 : memref<128xi32, #tpu.memory_space<hbm>>) dst(%arg10 : memref<128xi32, #tpu.memory_space<vmem>>)
      %add3A_74 = arith.constant 1 : i32
      %add3A_75 = arith.addi %add3A_60, %add3A_74 : i32
      %lt3A_76 = arith.constant 78 : i32
      %lt3A_77 = arith.cmpi slt, %add3A_75, %lt3A_76 : i32
      %convert_element_type3A_78 = arith.extui %lt3A_77 : i1 to i32
      %cond3A_79 = arith.constant 0 : i32
      %cond3A_80 = arith.cmpi ne, %convert_element_type3A_78, %cond3A_79 : i32
      scf.if %cond3A_80 {
        %add3A_124 = arith.constant 1 : i32
        %add3A_125 = arith.addi %add3A_60, %add3A_124 : i32
        %mul3A_126 = arith.constant 32 : i32
        %mul3A_127 = arith.muli %add3A_125, %mul3A_126 : i32
        %add3A_128 = arith.addi %mul3A_127, %add3A : i32
        %mul3A_129 = arith.constant 128 : i32
        %mul3A_130 = arith.muli %add3A_128, %mul3A_129 : i32
        %dma_start3A_131 = tpu.memref_slice %arg4[%mul3A_130] : memref<320000xi32, #tpu.memory_space<hbm>> -> memref<128xi32, #tpu.memory_space<hbm>>
        %dma_start3A_132 = tpu.memref_slice %arg4[%mul3A_130] : memref<320000xi32, #tpu.memory_space<hbm>> -> memref<128xi32, #tpu.memory_space<hbm>>
        tpu.enqueue_dma source(%dma_start3A_132 : memref<128xi32, #tpu.memory_space<hbm>>) target(%arg9 : memref<128xi32, #tpu.memory_space<vmem>>) target_semaphore(%arg16 : memref<!tpu.dma_semaphore, #tpu.memory_space<semaphore_mem>>)
        %dma_start3A_133 = tpu.memref_slice %arg5[%mul3A_130] : memref<320000xi32, #tpu.memory_space<hbm>> -> memref<128xi32, #tpu.memory_space<hbm>>
        %dma_start3A_134 = tpu.memref_slice %arg5[%mul3A_130] : memref<320000xi32, #tpu.memory_space<hbm>> -> memref<128xi32, #tpu.memory_space<hbm>>
        tpu.enqueue_dma source(%dma_start3A_134 : memref<128xi32, #tpu.memory_space<hbm>>) target(%arg11 : memref<128xi32, #tpu.memory_space<vmem>>) target_semaphore(%arg16 : memref<!tpu.dma_semaphore, #tpu.memory_space<semaphore_mem>>)
      } else {
      }
      %dma_start3A_81 = arith.constant 0 : i32
      %dma_start3A_82 = arith.constant 0 : i32
      %dma_start3A_83 = tpu.memref_slice %arg2[%dma_start3A_81, %dma_start3A_82] : memref<10000x128xf32, #tpu.memory_space<hbm>> -> memref<10000x128xf32, #tpu.memory_space<hbm>>
      tpu.enqueue_indirect_dma source(%dma_start3A_83 : memref<10000x128xf32, #tpu.memory_space<hbm>>) target(%arg12 : memref<128x128xf32, #tpu.memory_space<vmem>>) offsets(%arg8 : memref<128xi32, #tpu.memory_space<vmem>>) semaphore(%arg17 : memref<!tpu.dma_semaphore, #tpu.memory_space<semaphore_mem>>)
      %dma_wait3A_84 = arith.constant 0 : i32
      %dma_wait3A_85 = arith.constant 0 : i32
      %dma_wait3A_86 = tpu.memref_slice %arg2[%dma_wait3A_84, %dma_wait3A_85] : memref<10000x128xf32, #tpu.memory_space<hbm>> -> memref<10000x128xf32, #tpu.memory_space<hbm>>
      tpu.wait_indirect_dma semaphore(%arg17 : memref<!tpu.dma_semaphore, #tpu.memory_space<semaphore_mem>>) src(%dma_wait3A_86 : memref<10000x128xf32, #tpu.memory_space<hbm>>) dst(%arg12 : memref<128x128xf32, #tpu.memory_space<vmem>>)
      %dma_start3A_87 = arith.constant 0 : i32
      %dma_start3A_88 = arith.constant 0 : i32
      %dma_start3A_89 = tpu.memref_slice %arg14[%dma_start3A_87, %dma_start3A_88] : memref<10000x128xf32, #tpu.memory_space<vmem_shared>> -> memref<10000x128xf32, #tpu.memory_space<vmem_shared>>
      tpu.enqueue_indirect_dma source(%arg12 : memref<128x128xf32, #tpu.memory_space<vmem>>) target(%dma_start3A_89 : memref<10000x128xf32, #tpu.memory_space<vmem_shared>>) offsets(%arg10 : memref<128xi32, #tpu.memory_space<vmem>>) semaphore(%arg19 : memref<!tpu.dma_semaphore, #tpu.memory_space<semaphore_mem>>) {add = true}
      %mul3A_90 = arith.constant 2 : i32
      %mul3A_91 = arith.muli %mul3A_90, %scan3A_56 : i32
      %add3A_92 = arith.constant 1 : i32
      %add3A_93 = arith.addi %mul3A_91, %add3A_92 : i32
      %mul3A_94 = arith.constant 32 : i32
      %mul3A_95 = arith.muli %add3A_93, %mul3A_94 : i32
      %add3A_96 = arith.addi %mul3A_95, %add3A : i32
      %ge3A_97 = arith.constant 2 : i32
      %ge3A_98 = arith.cmpi sge, %add3A_93, %ge3A_97 : i32
      %convert_element_type3A_99 = arith.extui %ge3A_98 : i1 to i32
      %cond3A_100 = arith.constant 0 : i32
      %cond3A_101 = arith.cmpi ne, %convert_element_type3A_99, %cond3A_100 : i32
      scf.if %cond3A_101 {
        %dma_wait3A_124 = arith.constant 0 : i32
        %dma_wait3A_125 = arith.constant 0 : i32
        %dma_wait3A_126 = tpu.memref_slice %arg14[%dma_wait3A_124, %dma_wait3A_125] : memref<10000x128xf32, #tpu.memory_space<vmem_shared>> -> memref<10000x128xf32, #tpu.memory_space<vmem_shared>>
        tpu.wait_indirect_dma semaphore(%arg20 : memref<!tpu.dma_semaphore, #tpu.memory_space<semaphore_mem>>) src(%arg13 : memref<128x128xf32, #tpu.memory_space<vmem>>) dst(%dma_wait3A_126 : memref<10000x128xf32, #tpu.memory_space<vmem_shared>>)
      } else {
      }
      %mul3A_102 = arith.constant 128 : i32
      %mul3A_103 = arith.muli %add3A_96, %mul3A_102 : i32
      %dma_wait3A_104 = tpu.memref_slice %arg4[%mul3A_103] : memref<320000xi32, #tpu.memory_space<hbm>> -> memref<128xi32, #tpu.memory_space<hbm>>
      %dma_wait3A_105 = tpu.memref_slice %arg4[%mul3A_103] : memref<320000xi32, #tpu.memory_space<hbm>> -> memref<128xi32, #tpu.memory_space<hbm>>
      tpu.wait_dma2 semaphore(%arg16 : memref<!tpu.dma_semaphore, #tpu.memory_space<semaphore_mem>>) src(%dma_wait3A_105 : memref<128xi32, #tpu.memory_space<hbm>>) dst(%arg9 : memref<128xi32, #tpu.memory_space<vmem>>)
      %dma_wait3A_106 = tpu.memref_slice %arg5[%mul3A_103] : memref<320000xi32, #tpu.memory_space<hbm>> -> memref<128xi32, #tpu.memory_space<hbm>>
      %dma_wait3A_107 = tpu.memref_slice %arg5[%mul3A_103] : memref<320000xi32, #tpu.memory_space<hbm>> -> memref<128xi32, #tpu.memory_space<hbm>>
      tpu.wait_dma2 semaphore(%arg16 : memref<!tpu.dma_semaphore, #tpu.memory_space<semaphore_mem>>) src(%dma_wait3A_107 : memref<128xi32, #tpu.memory_space<hbm>>) dst(%arg11 : memref<128xi32, #tpu.memory_space<vmem>>)
      %add3A_108 = arith.constant 1 : i32
      %add3A_109 = arith.addi %add3A_93, %add3A_108 : i32
      %lt3A_110 = arith.constant 78 : i32
      %lt3A_111 = arith.cmpi slt, %add3A_109, %lt3A_110 : i32
      %convert_element_type3A_112 = arith.extui %lt3A_111 : i1 to i32
      %cond3A_113 = arith.constant 0 : i32
      %cond3A_114 = arith.cmpi ne, %convert_element_type3A_112, %cond3A_113 : i32
      scf.if %cond3A_114 {
        %add3A_124 = arith.constant 1 : i32
        %add3A_125 = arith.addi %add3A_93, %add3A_124 : i32
        %mul3A_126 = arith.constant 32 : i32
        %mul3A_127 = arith.muli %add3A_125, %mul3A_126 : i32
        %add3A_128 = arith.addi %mul3A_127, %add3A : i32
        %mul3A_129 = arith.constant 128 : i32
        %mul3A_130 = arith.muli %add3A_128, %mul3A_129 : i32
        %dma_start3A_131 = tpu.memref_slice %arg4[%mul3A_130] : memref<320000xi32, #tpu.memory_space<hbm>> -> memref<128xi32, #tpu.memory_space<hbm>>
        %dma_start3A_132 = tpu.memref_slice %arg4[%mul3A_130] : memref<320000xi32, #tpu.memory_space<hbm>> -> memref<128xi32, #tpu.memory_space<hbm>>
        tpu.enqueue_dma source(%dma_start3A_132 : memref<128xi32, #tpu.memory_space<hbm>>) target(%arg8 : memref<128xi32, #tpu.memory_space<vmem>>) target_semaphore(%arg15 : memref<!tpu.dma_semaphore, #tpu.memory_space<semaphore_mem>>)
        %dma_start3A_133 = tpu.memref_slice %arg5[%mul3A_130] : memref<320000xi32, #tpu.memory_space<hbm>> -> memref<128xi32, #tpu.memory_space<hbm>>
        %dma_start3A_134 = tpu.memref_slice %arg5[%mul3A_130] : memref<320000xi32, #tpu.memory_space<hbm>> -> memref<128xi32, #tpu.memory_space<hbm>>
        tpu.enqueue_dma source(%dma_start3A_134 : memref<128xi32, #tpu.memory_space<hbm>>) target(%arg10 : memref<128xi32, #tpu.memory_space<vmem>>) target_semaphore(%arg15 : memref<!tpu.dma_semaphore, #tpu.memory_space<semaphore_mem>>)
      } else {
      }
      %dma_start3A_115 = arith.constant 0 : i32
      %dma_start3A_116 = arith.constant 0 : i32
      %dma_start3A_117 = tpu.memref_slice %arg2[%dma_start3A_115, %dma_start3A_116] : memref<10000x128xf32, #tpu.memory_space<hbm>> -> memref<10000x128xf32, #tpu.memory_space<hbm>>
      tpu.enqueue_indirect_dma source(%dma_start3A_117 : memref<10000x128xf32, #tpu.memory_space<hbm>>) target(%arg13 : memref<128x128xf32, #tpu.memory_space<vmem>>) offsets(%arg9 : memref<128xi32, #tpu.memory_space<vmem>>) semaphore(%arg18 : memref<!tpu.dma_semaphore, #tpu.memory_space<semaphore_mem>>)
      %dma_wait3A_118 = arith.constant 0 : i32
      %dma_wait3A_119 = arith.constant 0 : i32
      %dma_wait3A_120 = tpu.memref_slice %arg2[%dma_wait3A_118, %dma_wait3A_119] : memref<10000x128xf32, #tpu.memory_space<hbm>> -> memref<10000x128xf32, #tpu.memory_space<hbm>>
      tpu.wait_indirect_dma semaphore(%arg18 : memref<!tpu.dma_semaphore, #tpu.memory_space<semaphore_mem>>) src(%dma_wait3A_120 : memref<10000x128xf32, #tpu.memory_space<hbm>>) dst(%arg13 : memref<128x128xf32, #tpu.memory_space<vmem>>)
      %dma_start3A_121 = arith.constant 0 : i32
      %dma_start3A_122 = arith.constant 0 : i32
      %dma_start3A_123 = tpu.memref_slice %arg14[%dma_start3A_121, %dma_start3A_122] : memref<10000x128xf32, #tpu.memory_space<vmem_shared>> -> memref<10000x128xf32, #tpu.memory_space<vmem_shared>>
      tpu.enqueue_indirect_dma source(%arg13 : memref<128x128xf32, #tpu.memory_space<vmem>>) target(%dma_start3A_123 : memref<10000x128xf32, #tpu.memory_space<vmem_shared>>) offsets(%arg11 : memref<128xi32, #tpu.memory_space<vmem>>) semaphore(%arg20 : memref<!tpu.dma_semaphore, #tpu.memory_space<semaphore_mem>>) {add = true}
    }
    %scan3A_37 = arith.constant 39 : i32
    %dma_wait3A_38 = arith.constant 0 : i32
    %dma_wait3A_39 = arith.constant 0 : i32
    %dma_wait3A_40 = tpu.memref_slice %arg14[%dma_wait3A_38, %dma_wait3A_39] : memref<10000x128xf32, #tpu.memory_space<vmem_shared>> -> memref<10000x128xf32, #tpu.memory_space<vmem_shared>>
    tpu.wait_indirect_dma semaphore(%arg19 : memref<!tpu.dma_semaphore, #tpu.memory_space<semaphore_mem>>) src(%arg12 : memref<128x128xf32, #tpu.memory_space<vmem>>) dst(%dma_wait3A_40 : memref<10000x128xf32, #tpu.memory_space<vmem_shared>>)
    %dma_wait3A_41 = arith.constant 0 : i32
    %dma_wait3A_42 = arith.constant 0 : i32
    %dma_wait3A_43 = tpu.memref_slice %arg14[%dma_wait3A_41, %dma_wait3A_42] : memref<10000x128xf32, #tpu.memory_space<vmem_shared>> -> memref<10000x128xf32, #tpu.memory_space<vmem_shared>>
    tpu.wait_indirect_dma semaphore(%arg20 : memref<!tpu.dma_semaphore, #tpu.memory_space<semaphore_mem>>) src(%arg13 : memref<128x128xf32, #tpu.memory_space<vmem>>) dst(%dma_wait3A_43 : memref<10000x128xf32, #tpu.memory_space<vmem_shared>>)
    %lt3A_44 = arith.constant 4 : i32
    %lt3A_45 = arith.cmpi slt, %add3A, %lt3A_44 : i32
    %convert_element_type3A_46 = arith.extui %lt3A_45 : i1 to i32
    %cond3A_47 = arith.constant 0 : i32
    %cond3A_48 = arith.cmpi ne, %convert_element_type3A_46, %cond3A_47 : i32
    scf.if %cond3A_48 {
      %add3A_56 = arith.constant 2496 : i32
      %add3A_57 = arith.addi %add3A_56, %add3A : i32
      %mul3A_58 = arith.constant 128 : i32
      %mul3A_59 = arith.muli %add3A_57, %mul3A_58 : i32
      "tpu.region"() ({
        %run_scoped3A = tpu.sem_alloc : memref<!tpu.dma_semaphore, #tpu.memory_space<semaphore_mem>>
        %dma_start3A_66 = tpu.memref_slice %arg4[%mul3A_59] : memref<320000xi32, #tpu.memory_space<hbm>> -> memref<128xi32, #tpu.memory_space<hbm>>
        %dma_start3A_67 = tpu.memref_slice %arg4[%mul3A_59] : memref<320000xi32, #tpu.memory_space<hbm>> -> memref<128xi32, #tpu.memory_space<hbm>>
        tpu.enqueue_dma source(%dma_start3A_67 : memref<128xi32, #tpu.memory_space<hbm>>) target(%arg8 : memref<128xi32, #tpu.memory_space<vmem>>) target_semaphore(%run_scoped3A : memref<!tpu.dma_semaphore, #tpu.memory_space<semaphore_mem>>)
        %dma_wait3A_68 = tpu.memref_slice %arg4[%mul3A_59] : memref<320000xi32, #tpu.memory_space<hbm>> -> memref<128xi32, #tpu.memory_space<hbm>>
        %dma_wait3A_69 = tpu.memref_slice %arg4[%mul3A_59] : memref<320000xi32, #tpu.memory_space<hbm>> -> memref<128xi32, #tpu.memory_space<hbm>>
        tpu.wait_dma2 semaphore(%run_scoped3A : memref<!tpu.dma_semaphore, #tpu.memory_space<semaphore_mem>>) src(%dma_wait3A_69 : memref<128xi32, #tpu.memory_space<hbm>>) dst(%arg8 : memref<128xi32, #tpu.memory_space<vmem>>)
        tpu.yield
      }) : () -> ()
      "tpu.region"() ({
        %run_scoped3A = tpu.sem_alloc : memref<!tpu.dma_semaphore, #tpu.memory_space<semaphore_mem>>
        %dma_start3A_66 = tpu.memref_slice %arg5[%mul3A_59] : memref<320000xi32, #tpu.memory_space<hbm>> -> memref<128xi32, #tpu.memory_space<hbm>>
        %dma_start3A_67 = tpu.memref_slice %arg5[%mul3A_59] : memref<320000xi32, #tpu.memory_space<hbm>> -> memref<128xi32, #tpu.memory_space<hbm>>
        tpu.enqueue_dma source(%dma_start3A_67 : memref<128xi32, #tpu.memory_space<hbm>>) target(%arg10 : memref<128xi32, #tpu.memory_space<vmem>>) target_semaphore(%run_scoped3A : memref<!tpu.dma_semaphore, #tpu.memory_space<semaphore_mem>>)
        %dma_wait3A_68 = tpu.memref_slice %arg5[%mul3A_59] : memref<320000xi32, #tpu.memory_space<hbm>> -> memref<128xi32, #tpu.memory_space<hbm>>
        %dma_wait3A_69 = tpu.memref_slice %arg5[%mul3A_59] : memref<320000xi32, #tpu.memory_space<hbm>> -> memref<128xi32, #tpu.memory_space<hbm>>
        tpu.wait_dma2 semaphore(%run_scoped3A : memref<!tpu.dma_semaphore, #tpu.memory_space<semaphore_mem>>) src(%dma_wait3A_69 : memref<128xi32, #tpu.memory_space<hbm>>) dst(%arg10 : memref<128xi32, #tpu.memory_space<vmem>>)
        tpu.yield
      }) : () -> ()
      %dma_start3A_60 = arith.constant 0 : i32
      %dma_start3A_61 = arith.constant 0 : i32
      %dma_start3A_62 = tpu.memref_slice %arg2[%dma_start3A_60, %dma_start3A_61] : memref<10000x128xf32, #tpu.memory_space<hbm>> -> memref<10000x128xf32, #tpu.memory_space<hbm>>
      tpu.enqueue_indirect_dma source(%dma_start3A_62 : memref<10000x128xf32, #tpu.memory_space<hbm>>) target(%arg12 : memref<128x128xf32, #tpu.memory_space<vmem>>) offsets(%arg8 : memref<128xi32, #tpu.memory_space<vmem>>) semaphore(%arg17 : memref<!tpu.dma_semaphore, #tpu.memory_space<semaphore_mem>>)
      %dma_wait3A_63 = arith.constant 0 : i32
      %dma_wait3A_64 = arith.constant 0 : i32
      %dma_wait3A_65 = tpu.memref_slice %arg2[%dma_wait3A_63, %dma_wait3A_64] : memref<10000x128xf32, #tpu.memory_space<hbm>> -> memref<10000x128xf32, #tpu.memory_space<hbm>>
      tpu.wait_indirect_dma semaphore(%arg17 : memref<!tpu.dma_semaphore, #tpu.memory_space<semaphore_mem>>) src(%dma_wait3A_65 : memref<10000x128xf32, #tpu.memory_space<hbm>>) dst(%arg12 : memref<128x128xf32, #tpu.memory_space<vmem>>)
      "tpu.region"() ({
        %run_scoped3A = tpu.sem_alloc : memref<!tpu.dma_semaphore, #tpu.memory_space<semaphore_mem>>
        %dma_start3A_66 = arith.constant 0 : i32
        %dma_start3A_67 = arith.constant 0 : i32
        %dma_start3A_68 = tpu.memref_slice %arg14[%dma_start3A_66, %dma_start3A_67] : memref<10000x128xf32, #tpu.memory_space<vmem_shared>> -> memref<10000x128xf32, #tpu.memory_space<vmem_shared>>
        tpu.enqueue_indirect_dma source(%arg12 : memref<128x128xf32, #tpu.memory_space<vmem>>) target(%dma_start3A_68 : memref<10000x128xf32, #tpu.memory_space<vmem_shared>>) offsets(%arg10 : memref<128xi32, #tpu.memory_space<vmem>>) semaphore(%run_scoped3A : memref<!tpu.dma_semaphore, #tpu.memory_space<semaphore_mem>>) {add = true}
        %dma_wait3A_69 = arith.constant 0 : i32
        %dma_wait3A_70 = arith.constant 0 : i32
        %dma_wait3A_71 = tpu.memref_slice %arg14[%dma_wait3A_69, %dma_wait3A_70] : memref<10000x128xf32, #tpu.memory_space<vmem_shared>> -> memref<10000x128xf32, #tpu.memory_space<vmem_shared>>
        tpu.wait_indirect_dma semaphore(%run_scoped3A : memref<!tpu.dma_semaphore, #tpu.memory_space<semaphore_mem>>) src(%arg12 : memref<128x128xf32, #tpu.memory_space<vmem>>) dst(%dma_wait3A_71 : memref<10000x128xf32, #tpu.memory_space<vmem_shared>>)
        tpu.yield
      }) : () -> ()
    } else {
    }
    %barrier3A_49 = arith.constant 0 : index
    tpu.barrier barrier_id(%barrier3A_49)
    %scan3A_50 = arith.constant 0 : i32
    %scan3A_51 = arith.constant 0 : i32
    %scan3A_52 = arith.constant 5 : i32
    %scan3A_53 = arith.addi %scan3A_51, %scan3A_52 : i32
    %scan3A_54 = arith.constant 1 : i32
    scf.for %scan3A_56 = %scan3A_51 to %scan3A_53 step %scan3A_54  : i32 {
      %mul3A_57 = arith.constant 16 : i32
      %mul3A_58 = arith.muli %scan3A_56, %mul3A_57 : i32
      %add3A_59 = arith.addi %mul3A_58, %arg1 : i32
      %mul3A_60 = arith.constant 128 : i32
      %mul3A_61 = arith.muli %add3A_59, %mul3A_60 : i32
      %mul3A_62 = arith.constant 10000 : i32
      %mul3A_63 = arith.muli %arg0, %mul3A_62 : i32
      %add3A_64 = arith.addi %mul3A_63, %mul3A_61 : i32
      %lt3A_65 = arith.constant 78 : i32
      %lt3A_66 = arith.cmpi slt, %add3A_59, %lt3A_65 : i32
      %convert_element_type3A_67 = arith.extui %lt3A_66 : i1 to i32
      %cond3A_68 = arith.constant 0 : i32
      %cond3A_69 = arith.cmpi ne, %convert_element_type3A_67, %cond3A_68 : i32
      scf.if %cond3A_69 {
        "tpu.region"() ({
          %run_scoped3A = tpu.sem_alloc : memref<!tpu.dma_semaphore, #tpu.memory_space<semaphore_mem>>
          %dma_start3A_74 = arith.constant 0 : i32
          %dma_start3A_75 = tpu.memref_slice %arg14[%mul3A_61, %dma_start3A_74] : memref<10000x128xf32, #tpu.memory_space<vmem_shared>> -> memref<128x128xf32, #tpu.memory_space<vmem_shared>>
          %dma_start3A_76 = arith.constant 0 : i32
          %dma_start3A_77 = tpu.memref_slice %arg14[%mul3A_61, %dma_start3A_76] : memref<10000x128xf32, #tpu.memory_space<vmem_shared>> -> memref<128x128xf32, #tpu.memory_space<vmem_shared>>
          tpu.enqueue_dma source(%dma_start3A_77 : memref<128x128xf32, #tpu.memory_space<vmem_shared>>) target(%arg12 : memref<128x128xf32, #tpu.memory_space<vmem>>) target_semaphore(%run_scoped3A : memref<!tpu.dma_semaphore, #tpu.memory_space<semaphore_mem>>)
          %dma_wait3A_78 = arith.constant 0 : i32
          %dma_wait3A_79 = tpu.memref_slice %arg14[%mul3A_61, %dma_wait3A_78] : memref<10000x128xf32, #tpu.memory_space<vmem_shared>> -> memref<128x128xf32, #tpu.memory_space<vmem_shared>>
          %dma_wait3A_80 = arith.constant 0 : i32
          %dma_wait3A_81 = tpu.memref_slice %arg14[%mul3A_61, %dma_wait3A_80] : memref<10000x128xf32, #tpu.memory_space<vmem_shared>> -> memref<128x128xf32, #tpu.memory_space<vmem_shared>>
          tpu.wait_dma2 semaphore(%run_scoped3A : memref<!tpu.dma_semaphore, #tpu.memory_space<semaphore_mem>>) src(%dma_wait3A_81 : memref<128x128xf32, #tpu.memory_space<vmem_shared>>) dst(%arg12 : memref<128x128xf32, #tpu.memory_space<vmem>>)
          tpu.yield
        }) : () -> ()
        "tpu.region"() ({
          %run_scoped3A = tpu.sem_alloc : memref<!tpu.dma_semaphore, #tpu.memory_space<semaphore_mem>>
          %dma_start3A_74 = arith.constant 0 : i32
          %dma_start3A_75 = tpu.memref_slice %arg7[%add3A_64, %dma_start3A_74] : memref<20000x128xf32, #tpu.memory_space<hbm>> -> memref<128x128xf32, #tpu.memory_space<hbm>>
          %dma_start3A_76 = arith.constant 0 : i32
          %dma_start3A_77 = tpu.memref_slice %arg7[%add3A_64, %dma_start3A_76] : memref<20000x128xf32, #tpu.memory_space<hbm>> -> memref<128x128xf32, #tpu.memory_space<hbm>>
          tpu.enqueue_dma source(%arg12 : memref<128x128xf32, #tpu.memory_space<vmem>>) target(%dma_start3A_77 : memref<128x128xf32, #tpu.memory_space<hbm>>) target_semaphore(%run_scoped3A : memref<!tpu.dma_semaphore, #tpu.memory_space<semaphore_mem>>)
          %dma_wait3A_78 = arith.constant 0 : i32
          %dma_wait3A_79 = tpu.memref_slice %arg7[%add3A_64, %dma_wait3A_78] : memref<20000x128xf32, #tpu.memory_space<hbm>> -> memref<128x128xf32, #tpu.memory_space<hbm>>
          %dma_wait3A_80 = arith.constant 0 : i32
          %dma_wait3A_81 = tpu.memref_slice %arg7[%add3A_64, %dma_wait3A_80] : memref<20000x128xf32, #tpu.memory_space<hbm>> -> memref<128x128xf32, #tpu.memory_space<hbm>>
          tpu.wait_dma2 semaphore(%run_scoped3A : memref<!tpu.dma_semaphore, #tpu.memory_space<semaphore_mem>>) src(%arg12 : memref<128x128xf32, #tpu.memory_space<vmem>>) dst(%dma_wait3A_81 : memref<128x128xf32, #tpu.memory_space<hbm>>)
          tpu.yield
        }) : () -> ()
      } else {
      }
      %eq3A = arith.constant 78 : i32
      %eq3A_70 = arith.cmpi eq, %add3A_59, %eq3A : i32
      %convert_element_type3A_71 = arith.extui %eq3A_70 : i1 to i32
      %cond3A_72 = arith.constant 0 : i32
      %cond3A_73 = arith.cmpi ne, %convert_element_type3A_71, %cond3A_72 : i32
      scf.if %cond3A_73 {
        "tpu.region"() ({
          %run_scoped3A = tpu.sem_alloc : memref<!tpu.dma_semaphore, #tpu.memory_space<semaphore_mem>>
          %dma_start3A_74 = arith.constant 0 : i32
          %dma_start3A_75 = arith.constant 0 : i32
          %dma_start3A_76 = tpu.memref_slice %arg12[%dma_start3A_74, %dma_start3A_75] : memref<128x128xf32, #tpu.memory_space<vmem>> -> memref<16x128xf32, #tpu.memory_space<vmem>>
          %dma_start3A_77 = arith.constant 0 : i32
          %dma_start3A_78 = tpu.memref_slice %arg14[%mul3A_61, %dma_start3A_77] : memref<10000x128xf32, #tpu.memory_space<vmem_shared>> -> memref<16x128xf32, #tpu.memory_space<vmem_shared>>
          %dma_start3A_79 = arith.constant 0 : i32
          %dma_start3A_80 = arith.constant 0 : i32
          %dma_start3A_81 = tpu.memref_slice %arg12[%dma_start3A_79, %dma_start3A_80] : memref<128x128xf32, #tpu.memory_space<vmem>> -> memref<16x128xf32, #tpu.memory_space<vmem>>
          %dma_start3A_82 = arith.constant 0 : i32
          %dma_start3A_83 = tpu.memref_slice %arg14[%mul3A_61, %dma_start3A_82] : memref<10000x128xf32, #tpu.memory_space<vmem_shared>> -> memref<16x128xf32, #tpu.memory_space<vmem_shared>>
          tpu.enqueue_dma source(%dma_start3A_83 : memref<16x128xf32, #tpu.memory_space<vmem_shared>>) target(%dma_start3A_81 : memref<16x128xf32, #tpu.memory_space<vmem>>) target_semaphore(%run_scoped3A : memref<!tpu.dma_semaphore, #tpu.memory_space<semaphore_mem>>)
          %dma_wait3A_84 = arith.constant 0 : i32
          %dma_wait3A_85 = arith.constant 0 : i32
          %dma_wait3A_86 = tpu.memref_slice %arg12[%dma_wait3A_84, %dma_wait3A_85] : memref<128x128xf32, #tpu.memory_space<vmem>> -> memref<16x128xf32, #tpu.memory_space<vmem>>
          %dma_wait3A_87 = arith.constant 0 : i32
          %dma_wait3A_88 = tpu.memref_slice %arg14[%mul3A_61, %dma_wait3A_87] : memref<10000x128xf32, #tpu.memory_space<vmem_shared>> -> memref<16x128xf32, #tpu.memory_space<vmem_shared>>
          %dma_wait3A_89 = arith.constant 0 : i32
          %dma_wait3A_90 = arith.constant 0 : i32
          %dma_wait3A_91 = tpu.memref_slice %arg12[%dma_wait3A_89, %dma_wait3A_90] : memref<128x128xf32, #tpu.memory_space<vmem>> -> memref<16x128xf32, #tpu.memory_space<vmem>>
          %dma_wait3A_92 = arith.constant 0 : i32
          %dma_wait3A_93 = tpu.memref_slice %arg14[%mul3A_61, %dma_wait3A_92] : memref<10000x128xf32, #tpu.memory_space<vmem_shared>> -> memref<16x128xf32, #tpu.memory_space<vmem_shared>>
          tpu.wait_dma2 semaphore(%run_scoped3A : memref<!tpu.dma_semaphore, #tpu.memory_space<semaphore_mem>>) src(%dma_wait3A_93 : memref<16x128xf32, #tpu.memory_space<vmem_shared>>) dst(%dma_wait3A_91 : memref<16x128xf32, #tpu.memory_space<vmem>>)
          tpu.yield
        }) : () -> ()
        "tpu.region"() ({
          %run_scoped3A = tpu.sem_alloc : memref<!tpu.dma_semaphore, #tpu.memory_space<semaphore_mem>>
          %dma_start3A_74 = arith.constant 0 : i32
          %dma_start3A_75 = arith.constant 0 : i32
          %dma_start3A_76 = tpu.memref_slice %arg12[%dma_start3A_74, %dma_start3A_75] : memref<128x128xf32, #tpu.memory_space<vmem>> -> memref<16x128xf32, #tpu.memory_space<vmem>>
          %dma_start3A_77 = arith.constant 0 : i32
          %dma_start3A_78 = tpu.memref_slice %arg7[%add3A_64, %dma_start3A_77] : memref<20000x128xf32, #tpu.memory_space<hbm>> -> memref<16x128xf32, #tpu.memory_space<hbm>>
          %dma_start3A_79 = arith.constant 0 : i32
          %dma_start3A_80 = tpu.memref_slice %arg7[%add3A_64, %dma_start3A_79] : memref<20000x128xf32, #tpu.memory_space<hbm>> -> memref<16x128xf32, #tpu.memory_space<hbm>>
          %dma_start3A_81 = arith.constant 0 : i32
          %dma_start3A_82 = arith.constant 0 : i32
          %dma_start3A_83 = tpu.memref_slice %arg12[%dma_start3A_81, %dma_start3A_82] : memref<128x128xf32, #tpu.memory_space<vmem>> -> memref<16x128xf32, #tpu.memory_space<vmem>>
          tpu.enqueue_dma source(%dma_start3A_83 : memref<16x128xf32, #tpu.memory_space<vmem>>) target(%dma_start3A_80 : memref<16x128xf32, #tpu.memory_space<hbm>>) target_semaphore(%run_scoped3A : memref<!tpu.dma_semaphore, #tpu.memory_space<semaphore_mem>>)
          %dma_wait3A_84 = arith.constant 0 : i32
          %dma_wait3A_85 = arith.constant 0 : i32
          %dma_wait3A_86 = tpu.memref_slice %arg12[%dma_wait3A_84, %dma_wait3A_85] : memref<128x128xf32, #tpu.memory_space<vmem>> -> memref<16x128xf32, #tpu.memory_space<vmem>>
          %dma_wait3A_87 = arith.constant 0 : i32
          %dma_wait3A_88 = tpu.memref_slice %arg7[%add3A_64, %dma_wait3A_87] : memref<20000x128xf32, #tpu.memory_space<hbm>> -> memref<16x128xf32, #tpu.memory_space<hbm>>
          %dma_wait3A_89 = arith.constant 0 : i32
          %dma_wait3A_90 = tpu.memref_slice %arg7[%add3A_64, %dma_wait3A_89] : memref<20000x128xf32, #tpu.memory_space<hbm>> -> memref<16x128xf32, #tpu.memory_space<hbm>>
          %dma_wait3A_91 = arith.constant 0 : i32
          %dma_wait3A_92 = arith.constant 0 : i32
          %dma_wait3A_93 = tpu.memref_slice %arg12[%dma_wait3A_91, %dma_wait3A_92] : memref<128x128xf32, #tpu.memory_space<vmem>> -> memref<16x128xf32, #tpu.memory_space<vmem>>
          tpu.wait_dma2 semaphore(%run_scoped3A : memref<!tpu.dma_semaphore, #tpu.memory_space<semaphore_mem>>) src(%dma_wait3A_93 : memref<16x128xf32, #tpu.memory_space<vmem>>) dst(%dma_wait3A_90 : memref<16x128xf32, #tpu.memory_space<hbm>>)
          tpu.yield
        }) : () -> ()
      } else {
      }
    }
    %scan3A_55 = arith.constant 5 : i32
    return
  }
}

module attributes {stable_mosaic.version = 14 : i64} {
  func.func @_m_body(%arg0: i32, %arg1: memref<16x3200xf32, #tpu.memory_space<vmem>>, %arg2: memref<16x128xf32, #tpu.memory_space<vmem>>, %arg3: memref<3200x128xf32, #tpu.memory_space<vmem>>) attributes {dimension_semantics = [#tpu.dimension_semantics<arbitrary>], iteration_bounds = array<i64: 100>, scalar_prefetch = 0 : i64, scratch_operands = 0 : i64, tpu.core_type = #tpu.core_type<tc>, window_params = [{transform_indices = @transform_0, window_bounds = array<i64: 16, 3200>}, {pipeline_mode = #tpu.pipeline_mode<synchronous>, transform_indices = @transform_1, window_bounds = array<i64: 16, 128>}, {transform_indices = @transform_2, window_bounds = array<i64: 3200, 128>}]} {
    %get3A = arith.constant 0 : index
    %get3A_0 = arith.constant 0 : index
    %get3A_1 = vector.load %arg1[%get3A, %get3A_0] : memref<16x3200xf32, #tpu.memory_space<vmem>>, vector<16x3200xf32>
    %get3A_2 = arith.constant 0 : index
    %get3A_3 = arith.constant 0 : index
    %get3A_4 = vector.load %arg2[%get3A_2, %get3A_3] : memref<16x128xf32, #tpu.memory_space<vmem>>, vector<16x128xf32>
    %dot_general3A = arith.constant dense<0.000000e+00> : vector<3200x128xf32>
    %dot_general3A_5 = tpu.matmul %get3A_1, %get3A_4, %dot_general3A {dimension_numbers = #tpu.dot_dimension_numbers<[0], [0], [1], [1], [0, 1, 1, 1], [], []>, transpose_lhs_hint = false} : vector<16x3200xf32>, vector<16x128xf32>, vector<3200x128xf32> -> vector<3200x128xf32>
    %swap3A = arith.constant 0 : index
    %swap3A_6 = arith.constant 0 : index
    %swap3A_7 = vector.load %arg3[%swap3A, %swap3A_6] : memref<3200x128xf32, #tpu.memory_space<vmem>>, vector<3200x128xf32>
    tpu.vector_store %arg3[%swap3A, %swap3A_6], %dot_general3A_5 {strides = array<i32>} : memref<3200x128xf32, #tpu.memory_space<vmem>>, vector<3200x128xf32>,
    return
  }
  func.func @transform_0(%arg0: i32) -> (i32, i32) {
    %c0_i32 = arith.constant 0 : i32
    %c0_i32_0 = arith.constant 0 : i32
    return %c0_i32, %arg0 : i32, i32
  }
  func.func @transform_1(%arg0: i32) -> (i32, i32) {
    %c0_i32 = arith.constant 0 : i32
    %c0_i32_0 = arith.constant 0 : i32
    %c0_i32_1 = arith.constant 0 : i32
    return %c0_i32, %c0_i32_0 : i32, i32
  }
  func.func @transform_2(%arg0: i32) -> (i32, i32) {
    %c0_i32 = arith.constant 0 : i32
    %c0_i32_0 = arith.constant 0 : i32
    return %arg0, %c0_i32 : i32, i32
  }
}

module attributes {stable_mosaic.version = 14 : i64} {
  func.func @_y_body(%arg0: i32, %arg1: memref<1000x128xf32, #tpu.memory_space<vmem>>, %arg2: memref<128x128xf32, #tpu.memory_space<vmem>>, %arg3: memref<1000x128xf32, #tpu.memory_space<vmem>>) attributes {dimension_semantics = [#tpu.dimension_semantics<arbitrary>], iteration_bounds = array<i64: 10>, scalar_prefetch = 0 : i64, scratch_operands = 0 : i64, tpu.core_type = #tpu.core_type<tc>, window_params = [{transform_indices = @transform_0, window_bounds = array<i64: 1000, 128>}, {pipeline_mode = #tpu.pipeline_mode<synchronous>, transform_indices = @transform_1, window_bounds = array<i64: 128, 128>}, {transform_indices = @transform_2, window_bounds = array<i64: 1000, 128>}]} {
    %get3A = arith.constant 0 : index
    %get3A_0 = arith.constant 0 : index
    %get3A_1 = vector.load %arg1[%get3A, %get3A_0] : memref<1000x128xf32, #tpu.memory_space<vmem>>, vector<1000x128xf32>
    %get3A_2 = arith.constant 0 : index
    %get3A_3 = arith.constant 0 : index
    %get3A_4 = vector.load %arg2[%get3A_2, %get3A_3] : memref<128x128xf32, #tpu.memory_space<vmem>>, vector<128x128xf32>
    %dot_general3A = arith.constant dense<0.000000e+00> : vector<1000x128xf32>
    %dot_general3A_5 = tpu.matmul %get3A_1, %get3A_4, %dot_general3A {dimension_numbers = #tpu.dot_dimension_numbers<[1], [0], [0], [1], [0, 0, 1, 1], [], []>, transpose_lhs_hint = false} : vector<1000x128xf32>, vector<128x128xf32>, vector<1000x128xf32> -> vector<1000x128xf32>
    %swap3A = arith.constant 0 : index
    %swap3A_6 = arith.constant 0 : index
    %swap3A_7 = vector.load %arg3[%swap3A, %swap3A_6] : memref<1000x128xf32, #tpu.memory_space<vmem>>, vector<1000x128xf32>
    tpu.vector_store %arg3[%swap3A, %swap3A_6], %dot_general3A_5 {strides = array<i32>} : memref<1000x128xf32, #tpu.memory_space<vmem>>, vector<1000x128xf32>,
    return
  }
  func.func @transform_0(%arg0: i32) -> (i32, i32) {
    %c0_i32 = arith.constant 0 : i32
    %c0_i32_0 = arith.constant 0 : i32
    return %arg0, %c0_i32 : i32, i32
  }
  func.func @transform_1(%arg0: i32) -> (i32, i32) {
    %c0_i32 = arith.constant 0 : i32
    %c0_i32_0 = arith.constant 0 : i32
    %c0_i32_1 = arith.constant 0 : i32
    return %c0_i32, %c0_i32_0 : i32, i32
  }
  func.func @transform_2(%arg0: i32) -> (i32, i32) {
    %c0_i32 = arith.constant 0 : i32
    %c0_i32_0 = arith.constant 0 : i32
    return %arg0, %c0_i32 : i32, i32
  }
}

module attributes {stable_mosaic.version = 14 : i64} {
  func.func @_out_body(%arg0: i32, %arg1: memref<1000x128xf32, #tpu.memory_space<vmem>>, %arg2: memref<1000x128xf32, #tpu.memory_space<vmem>>, %arg3: memref<1000x128xf32, #tpu.memory_space<vmem>>, %arg4: memref<1000x128xf32, #tpu.memory_space<vmem>>) attributes {dimension_semantics = [#tpu.dimension_semantics<arbitrary>], iteration_bounds = array<i64: 10>, scalar_prefetch = 0 : i64, scratch_operands = 0 : i64, tpu.core_type = #tpu.core_type<tc>, window_params = [{transform_indices = @transform_0, window_bounds = array<i64: 1000, 128>}, {transform_indices = @transform_1, window_bounds = array<i64: 1000, 128>}, {transform_indices = @transform_2, window_bounds = array<i64: 1000, 128>}, {transform_indices = @transform_3, window_bounds = array<i64: 1000, 128>}]} {
    %get3A = arith.constant 0 : index
    %get3A_0 = arith.constant 0 : index
    %get3A_1 = vector.load %arg1[%get3A, %get3A_0] : memref<1000x128xf32, #tpu.memory_space<vmem>>, vector<1000x128xf32>
    %get3A_2 = arith.constant 0 : index
    %get3A_3 = arith.constant 0 : index
    %get3A_4 = vector.load %arg2[%get3A_2, %get3A_3] : memref<1000x128xf32, #tpu.memory_space<vmem>>, vector<1000x128xf32>
    %get3A_5 = arith.constant 0 : index
    %get3A_6 = arith.constant 0 : index
    %get3A_7 = vector.load %arg3[%get3A_5, %get3A_6] : memref<1000x128xf32, #tpu.memory_space<vmem>>, vector<1000x128xf32>
    %add3A = arith.addf %get3A_4, %get3A_7 : vector<1000x128xf32>
    %add3A_8 = arith.addf %get3A_1, %add3A : vector<1000x128xf32>
    %swap3A = arith.constant 0 : index
    %swap3A_9 = arith.constant 0 : index
    %swap3A_10 = vector.load %arg4[%swap3A, %swap3A_9] : memref<1000x128xf32, #tpu.memory_space<vmem>>, vector<1000x128xf32>
    tpu.vector_store %arg4[%swap3A, %swap3A_9], %add3A_8 {strides = array<i32>} : memref<1000x128xf32, #tpu.memory_space<vmem>>, vector<1000x128xf32>,
    return
  }
  func.func @transform_0(%arg0: i32) -> (i32, i32) {
    %c0_i32 = arith.constant 0 : i32
    %c0_i32_0 = arith.constant 0 : i32
    return %arg0, %c0_i32 : i32, i32
  }
  func.func @transform_1(%arg0: i32) -> (i32, i32) {
    %c0_i32 = arith.constant 0 : i32
    %c0_i32_0 = arith.constant 0 : i32
    return %arg0, %c0_i32 : i32, i32
  }
  func.func @transform_2(%arg0: i32) -> (i32, i32) {
    %c0_i32 = arith.constant 0 : i32
    %c0_i32_0 = arith.constant 0 : i32
    return %arg0, %c0_i32 : i32, i32
  }
  func.func @transform_3(%arg0: i32) -> (i32, i32) {
    %c0_i32 = arith.constant 0 : i32
    %c0_i32_0 = arith.constant 0 : i32
    return %arg0, %c0_i32 : i32, i32
  }
}

</mosaic_0001>

<sc_bundles>
// kernel: kernel.6.cloned.1.call-start
scs
__scs_entry_jumppad:
0x0: {  	(pc) =	sbr.rel $0x88, $3  }
0x1: {  	(tag) =	ssettag $0x0;
	lr =	simm.s32 $0x1  }
0x2: {  	[smem:$0x3F9B] =	sst lr;
	_ =	strace $0xD0000000  }
0x3: {  	_ = 	snop  }
0x4: {  	_ = 	snop  }
0x5: {  	_ = 	snop  }
0x6: {  	_ = 	snop  }
0x7: {  	_ = 	snop  }
__scs_overlays_trampoline_lowered:
0x8: {  	[smem:$0x3FAA] =	sst s0  }
0x9: {  	[smem:$0x3FAB] =	sst s1  }
0xa: {  	[smem:$0x3FAC] =	sst s2  }
0xb: {  	[smem:$0x3FAD] =	sst s3  }
0xc: {  	[smem:$0x3FAE] =	sst s4  }
0xd: {  	[smem:$0x3FAF] =	sst s5  }
0xe: {  	[smem:$0x3FB0] =	sst s6  }
0xf: {  	[smem:$0x3FB1] =	sst s7  }
0x10: {  	[smem:$0x3FB2] =	sst s8  }
0x11: {  	[smem:$0x3FB3] =	sst s9;
	s0 =	simm.s32 @!p0 $0x0  }
0x12: {  	s1 =	sld [smem:$0x3F99];
	s0 =	simm.s32 @p0 $0x1  }
0x13: {  	[smem:$0x3FB4] =	sst s0;
	s0 =	simm.s32 @!p1 $0x0  }
0x14: {  	s2 =	sld [smem:$0x3F98];
	s0 =	simm.s32 @p1 $0x1  }
0x15: {  	[smem:$0x3FB5] =	sst s0;
	s0 =	simm.s32 @!p2 $0x0  }
0x16: {  	s3 =	sld [smem:$0x3FDB];
	s0 =	simm.s32 @p2 $0x1  }
0x17: {  	s4 =	simm.s32 $0x1BF5;
	[smem:$0x3FB7] =	sst s0  }
0x18: {  	s0 =	sld [smem:$0x3F9A];
	_ =	swait.ge [sflag:s4], $0x0  }
0x19: {  	s7 =	sld [smem:$0x3F9B]  }
0x1a: {  	s8 =	sadd.s32 $0xFFFFE003, lr  }
0x1b: {  	s9 =	sadd.s32 $0xFFFFFEF7, lr;
	s5 =	simm.s32 $0xFFFFFFFF;
	p2 =	slt.u32 s8, $0xFFFFF086  }
0x1c: {  	p1 =	slt.u32 s9, $0xF7A;
	s5 =	simm.s32 @!p2 $0x0  }
0x1d: {  	s5 =	simm.s32 @p1 $0x1;
	p0 =	seq.s32 s7, s2  }
0x1e: {  	s7 =	smul.u32 @!p0 $0xF7A, s2;
	p2 =	seq.s32 @!p0 s5, $0x0  }
0x1f: {  	s9 =	smul.u32 $0xF7A, s1;
	s8 =	simm.s32 @!p0 $0x1BF5;
	p2 =	por !p2, p0  }
0x20: {  	[sflag:s8] =	ssyncset.s32 @!p0 $0xFFFFF086;
	s6 =	sadd.s32 @!p0 s3, s7;
	s7 =	simm.s32 @!p0 $0x108  }
0x21: {  	s3 =	sadd.s32 s3, s9;
	s6 =	sadd.s32 @!p0 $0x88, s6;
	s7 =	simm.s32 @p2 $0x1082  }
0x22: {  	[simem:s7], [sflag:s8] =	dma.local @!p0 [hbm:s6], $0xF7A  }
0x23: {  	s9 =	sor.u32 $0xD0000000, s2;
	s6 =	simm.s32 $0x108;
	_ =	swait.ge @!p0 [sflag:s8], $0x0  }
0x24: {  	s3 =	sadd.s32 $0x88, s3;
	s6 =	simm.s32 @!p1 $0x1082;
	[sflag:s4] =	ssyncset.s32 $0xFFFFF086  }
0x25: {  	[simem:s6], [sflag:s4] =	dma.local [hbm:s3], $0xF7A  }
0x26: {  	[smem:$0x3F9B] =	sst s1;
	(tag) =	ssettag s2;
	_ =	strace s9  }
0x27: {  	s1 =	sld [smem:$0x3FAB]  }
0x28: {  	s2 =	sld [smem:$0x3FAC]  }
0x29: {  	s4 =	sld [smem:$0x3FAE]  }
0x2a: {  	p0 =	seq.s32 s5, $0x0;
	s5 =	sld [smem:$0x3FAF]  }
0x2b: {  	s6 =	sld [smem:$0x3FB0]  }
0x2c: {  	s7 =	sld [smem:$0x3FB1]  }
0x2d: {  	s3 =	simm.s32 $0x108;
	s8 =	sld [smem:$0x3FB2]  }
0x2e: {  	s3 =	simm.s32 @!p0 $0x1082;
	s9 =	sld [smem:$0x3FB3]  }
0x2f: {  	lr =	sadd.s32 s0, s3;
	s0 =	sld [smem:$0x3FAA]  }
0x30: {  	s3 =	sld [smem:$0x3FAD]  }
0x31: {  	[smem:$0x3FB6] =	sst s10  }
0x32: {  	s10 =	sld [smem:$0x3FB4];
	_ =	sdelay $0x3  }
0x33: {  	p0 =	seq.s32 s10, $0x1;
	s10 =	sld [smem:$0x3FB6];
	_ =	sdelay $0x3  }
0x34: {  	[smem:$0x3FB6] =	sst s10  }
0x35: {  	s10 =	sld [smem:$0x3FB5];
	_ =	sdelay $0x3  }
0x36: {  	p1 =	seq.s32 s10, $0x1;
	s10 =	sld [smem:$0x3FB6];
	_ =	sdelay $0x3  }
0x37: {  	[smem:$0x3FB6] =	sst s10  }
0x38: {  	s10 =	sld [smem:$0x3FB7]  }
0x39: {  	_ = 	snop;
	(pc) =	sbr.ind lr, $3  }
0x3a: {  	_ = 	snop  }
0x3b: {  	_ = 	snop  }
0x3c: {  	p2 =	seq.s32 s10, $0x1;
	s10 =	sld [smem:$0x3FB6]  }
0x3d: {  	_ =	shalt  }
0x3e: {  	_ =	shalt  }
0x3f: {  	_ =	shalt  }
0x40: {  	_ =	shalt  }
0x41: {  	_ =	shalt  }
0x42: {  	_ =	shalt  }
0x43: {  	_ =	shalt  }
0x44: {  	_ =	shalt  }
0x45: {  	_ =	shalt  }
0x46: {  	_ =	shalt  }
0x47: {  	_ =	shalt  }
0x48: {  	_ =	shalt  }
0x49: {  	_ =	shalt  }
0x4a: {  	_ =	shalt  }
0x4b: {  	_ =	shalt  }
0x4c: {  	_ =	shalt  }
0x4d: {  	_ =	shalt  }
0x4e: {  	_ =	shalt  }
0x4f: {  	_ =	shalt  }
0x50: {  	_ =	shalt  }
0x51: {  	_ =	shalt  }
0x52: {  	_ =	shalt  }
0x53: {  	_ =	shalt  }
0x54: {  	_ =	shalt  }
0x55: {  	_ =	shalt  }
0x56: {  	_ =	shalt  }
0x57: {  	_ =	shalt  }
0x58: {  	_ =	shalt  }
0x59: {  	_ =	shalt  }
0x5a: {  	_ =	shalt  }
0x5b: {  	_ =	shalt  }
0x5c: {  	_ =	shalt  }
0x5d: {  	_ =	shalt  }
0x5e: {  	_ =	shalt  }
0x5f: {  	_ =	shalt  }
0x60: {  	_ =	shalt  }
0x61: {  	_ =	shalt  }
0x62: {  	_ =	shalt  }
0x63: {  	_ =	shalt  }
0x64: {  	_ =	shalt  }
0x65: {  	_ =	shalt  }
0x66: {  	_ =	shalt  }
0x67: {  	_ =	shalt  }
0x68: {  	_ =	shalt  }
0x69: {  	_ =	shalt  }
0x6a: {  	_ =	shalt  }
0x6b: {  	_ =	shalt  }
0x6c: {  	_ =	shalt  }
0x6d: {  	_ =	shalt  }
0x6e: {  	_ =	shalt  }
0x6f: {  	_ =	shalt  }
0x70: {  	_ =	shalt  }
0x71: {  	_ =	shalt  }
0x72: {  	_ =	shalt  }
0x73: {  	_ =	shalt  }
0x74: {  	_ =	shalt  }
0x75: {  	_ =	shalt  }
0x76: {  	_ =	shalt  }
0x77: {  	_ =	shalt  }
0x78: {  	_ =	shalt  }
0x79: {  	_ =	shalt  }
0x7a: {  	_ =	shalt  }
0x7b: {  	_ =	shalt  }
0x7c: {  	_ =	shalt  }
0x7d: {  	_ =	shalt  }
0x7e: {  	_ =	shalt  }
0x7f: {  	_ =	shalt  }
0x80: {  	_ =	shalt  }
0x81: {  	_ =	shalt  }
0x82: {  	_ =	shalt  }
0x83: {  	_ =	shalt  }
0x84: {  	_ =	shalt  }
0x85: {  	_ =	shalt  }
0x86: {  	_ =	shalt  }
0x87: {  	_ =	shalt  }
.Lfunc_end0:
.L_simem_size_0:
called_computation_lowered:
.L_overlay_start_0:
0x88: {  	s2 =	sld [smem:$0x3FD9]  }
0x89: {  	s3 =	sld [smem:$0x3FFE];
	_ =	sdelay $0x1  }
0x8a: {  	s1 =	srdreg.scid  }
0x8b: {  	s0 =	sand.u32 $0x1, s1  }
0x8c: {  	s17 =	sshll.u32 s0, $0xA;
	s2 =	sadd.s32 s3, s2  }
0x8d: {  	s2 =	sadd.s32 s2, s17  }
0x8e: {  	[smem:$0x3FC2] =	sst s2  }
0x8f: {  	_ = 	snop  }
0x90: {  	s2 =	sld [smem:$0x3FD0];
	(tm) =	ssettm $0x1  }
0x91: {  	s18 =	sld [smem:$0x3FFB];
	_ =	sdelay $0x3  }
0x92: {  	_ =	strace s18  }
0x93: {  	s3 =	sld [smem:$0x3FFC];
	_ =	sdelay $0x3  }
0x94: {  	_ =	strace s3  }
0x95: {  	s3 =	sld [smem:$0x3FFD];
	_ =	sdelay $0x3  }
0x96: {  	_ =	strace s3  }
0x97: {  	_ =	strace $0x8FFFFFFF  }
0x98: {  	s19 =	sld [smem:$0x3FDB];
	_ =	sdelay $0x1  }
0x99: {  	s4 =	simm.s32 $_scs_section_size  }
0x9a: {  	s5 =	simm.s32 $_size__tile_overlayer_lowered;
	s6 =	simm.s32 $_tile_overlayer_lowered  }
0x9b: {  	s22 =	simm.s32 $0x1BFF;
	s21 =	sshll.u32 s6, $0x1;
	s3 =	sadd.s32 s4, s19  }
0x9c: {  	s7 =	simm.s32 $0x0;
	s20 =	sshll.u32 s5, $0x1;
	s5 =	sadd.s32 s21, s3  }
0x9d: {  	[timem:s7], [sflag:s22] =	dma.local [hbm:s5], s20  }
0x9e: {  	_ =	swait.ge [sflag:s22], s20  }
0x9f: {  	s4 =	ssub.s32 $0x0, s20;
	[sflag:s22] =	ssyncset.done $0x0  }
0xa0: {  	[sflag:s22] =	ssyncadd.s32 s4;
	_ =	sdelay $0x1  }
0xa1: {  	s23 =	simm.s32 $0x1B8B  }
0xa2: {  	_ =	swait.ge [sflag:s23], $0x1  }
0xa3: {  	[sflag:s23] =	ssyncset.done $0x0  }
0xa4: {  	s25 =	simm.s32 $0x1B8E;
	s24 =	sld [smem:$0x3FFE];
	[sflag:s23] =	ssyncadd.s32 $0xFFFFFFFF  }
0xa5: {  	s26 =	simm.s32 $execute0_lowered;
	[smem:$0x3FD2] =	sst s25  }
0xa6: {  	s5 =	sshll.u32 s26, $0x1;
	_ =	strace $0x80000046;
	[dreg:$0x1] =	wrdreg $0xFFFFFFFF  }
0xa7: {  	s28 =	simm.s32 $_size_execute0_lowered;
	s3 =	sadd.s32 s3, s5;
	[dreg:$0x0] =	wrdreg $0x0  }
0xa8: {  	s5 =	sshll.u32 s28, $0x1;
	[dreg:$0x2] =	wrdreg s3  }
0xa9: {  	[dreg:$0x3] =	wrdreg s5  }
0xaa: {  	[dreg:$0x4] =	wrdreg $0xC0  }
0xab: {  	_ =	task [dreg:s7], $0x5FFFF  }
0xac: {  	[dreg:$0x1] =	wrdreg $0xFFFFFFFF  }
0xad: {  	[dreg:$0x0] =	wrdreg $0x60  }
0xae: {  	[dreg:$0x2] =	wrdreg s2  }
0xaf: {  	[dreg:$0x3] =	wrdreg s24  }
0xb0: {  	[dreg:$0x4] =	wrdreg $0x82000  }
0xb1: {  	[dreg:$0x5] =	wrdreg $0x9  }
0xb2: {  	_ =	task.clear_ibuf [dreg:s7], $0x6FFFF;
	_ =	strace $0x90000046  }
0xb3: {  	s29 =	simm.s32 $0x9;
	_ =	strace $0x80000048  }
0xb4: {  	_ =	swait.ge [sflag:s29], $0x1  }
0xb5: {  	[sflag:s29] =	ssyncadd.s32 $0xFFFFFFFF  }
0xb6: {  	_ =	strace $0x90000048  }
0xb7: {  	_ =	sfence  }
0xb8: {  	s30 =	sld [smem:$0x0];
	_ =	sdelay $0x2  }
0xb9: {  	s31 =	sshll.u32 s1, $0xD;
	s1 =	sshrl.u32 s1, $0x2  }
0xba: {  	s3 =	sand.u32 $0x4000, s31;
	s1 =	sadd.s32 s1, s30  }
0xbb: {  	s0 =	sor.u32 s3, s0;
	s1 =	sshll.u32 s1, $0x11  }
0xbc: {  	s0 =	sor.u32 s1, s0  }
0xbd: {  	s0 =	sadd.s32 $0x8F2B, s0  }
0xbe: {  	[sflag:s0] =	ssyncadd.remote.s32 $0x1  }
0xbf: {  	_ =	sfence.sel $0xFFFF  }
0xc0: {  	[dreg:$0x0] =	wrdreg $0xFFFFFFFF;
	(pc) =	sbr.abs _section_cstart, $3  }
0xc1: {  	[dreg:$0x1] =	wrdreg $0xFFFFFFFF  }
0xc2: {  	_ =	task.clear_ibuf [dreg:s7], $0x2FFFF;
	_ =	strace $0x9FFFFFFF  }
0xc3: {  	(tm) =	ssettm $0x7FFFFFFF  }
tec
execute0_lowered:
.L_overlay_start_1:
0x0: {  	(tag) =	ssettag $0x1  }
0x1: {  	s0 =	srdreg.scid;
	s2 =	rddreg [dreg:$0x1]  }
0x2: {  	s28 =	simm.s32 $0x0;
	s1 =	sand.u32 $0x1, s0;
	s4 =	sadd.s32 $0x14600, s2  }
0x3: {  	s0 =	stileid.u32;
	s5 =	sadd.s32 $0xA800, s2;
	s8 =	sadd.s32 $0xA00, s2  }
0x4: {  	s3 =	ssub.s32 $0x2, s1;
	s7 =	sshll.u32 s0, $0x1;
	s22 =	sshll.u32 s0, $0x8  }
0x5: {  	p2 =	sgt.u32 s0, $0x1;
	s6 =	sshrl.u32 s3, $0x1;
	s23 =	sor.u32 s1, s7  }
0x6: {  	s3 =	ssub.s32 s3, s6;
	s7 =	sshll.u32 s23, $0x4;
	s9 =	sshll.u32 s23, $0xB  }
0x7: {  	s6 =	sshll.u32 s23, $0x7;
	s23 =	sshll.u32 s1, $0x7;
	s21 =	sadd.s32 s8, s7  }
0x8: {  	s9 =	sadd.s32 s4, s9;
	s24 =	sor.u32 $0x4E000, s6;
	s10 =	sor.u32 $0x2000, s6  }
0x9: {  	s25 =	sadd.s32 s5, s7;
	s26 =	sor.u32 $0x400, s7;
	s29 =	sor.u32 $0x9C00, s7  }
0xa: {  	s6 =	sor.u32 $0x1000, s6;
	s15 =	sor.u32 $0x200, s7;
	s7 =	sor.u32 $0x9A00, s7  }
0xb: {  	[dreg:$0x5] =	wrdreg s9;
	s11 =	sshrl.u32 s24, $0x3;
	s9 =	sshll.u32 s24, $0x4  }
0xc: {  	[dreg:$0x8] =	wrdreg s25;
	s12 =	sadd.s32 s5, s29;
	s30 =	sshrl.u32 s6, $0x3  }
0xd: {  	s6 =	sshll.u32 s6, $0x4;
	s17 =	sadd.s32 s5, s15;
	[dreg:$0x9] =	wrdreg s12  }
0xe: {  	s14 =	sshrl.u32 s10, $0x3;
	s18 =	sadd.s32 s8, s15;
	[dreg:$0xf] =	wrdreg s17  }
0xf: {  	s10 =	sshll.u32 s10, $0x4;
	s19 =	sadd.s32 s5, s26;
	[dreg:$0x10] =	wrdreg s18  }
0x10: {  	s20 =	sadd.s32 s8, s26;
	s24 =	sshll.u32 s0, $0xC;
	[dreg:$0x11] =	wrdreg s19  }
0x11: {  	s25 =	sshll.u32 s1, $0xB;
	s11 =	sadd.s32 s8, s11;
	[dreg:$0x12] =	wrdreg s20  }
0x12: {  	s15 =	sor.u32 $0x40, s0;
	s9 =	sadd.s32 s4, s9;
	[dreg:$0x6] =	wrdreg s11  }
0x13: {  	s13 =	sadd.s32 s8, s30;
	s6 =	sadd.s32 s4, s6;
	[dreg:$0x7] =	wrdreg s9  }
0x14: {  	s16 =	sadd.s32 s4, s10;
	s4 =	sadd.s32 s24, s4;
	[dreg:$0xb] =	wrdreg s13  }
0x15: {  	s20 =	simm.s32 $0x0;
	s10 =	smul.u32 $0x27100, s1;
	[dreg:$0xc] =	wrdreg s6  }
0x16: {  	s1 =	sshll.u32 s1, $0x4;
	s12 =	sshll.u32 s0, $0xB;
	[dreg:$0xe] =	wrdreg s16  }
0x17: {  	p0 =	slt.u32 s15, $0x4E;
	s11 =	sadd.s32 s8, s29;
	[smem:$0x7FF] =	sst s20  }
0x18: {  	s6 =	sadd.s32 s8, s14;
	s4 =	sadd.s32 s25, s4;
	s25 =	rddreg [dreg:$0x2]  }
0x19: {  	s29 =	sadd.s32 s5, s7;
	s7 =	sadd.s32 s8, s7;
	[dreg:$0xa] =	wrdreg s11  }
0x1a: {  	s9 =	sshll.u32 s0, $0x5;
	s13 =	smax.u32 s3, $0x1;
	[dreg:$0xd] =	wrdreg s6  }
0x1b: {  	s14 =	sshll.u32 s0, $0xE;
	s16 =	sshll.u32 s15, $0xE;
	[dreg:$0x13] =	wrdreg s29  }
0x1c: {  	p1 =	sne.s32 @!p0 s0, $0xE;
	s15 =	simm.s32 $0x5;
	[dreg:$0x14] =	wrdreg s7  }
0x1d: {  	s6 =	sor.u32 s23, s22;
	s5 =	sadd.s32 s9, s5;
	s22 =	rddreg [dreg:$0x0]  }
0x1e: {  	s11 =	sadd.s32 s10, s2;
	s2 =	sadd.s32 $0x4F6600, s2;
	s31 =	sadd.s32 s14, s25  }
0x1f: {  	s17 =	sadd.s32 $0x30000, s4;
	p1 =	por p1, p0;
	s10 =	simm.s32 $0x1  }
0x20: {  	s14 =	simm.s32 $0x2;
	_ =	strace $0x80000047;
	[dreg:$0x15] =	wrdreg s2  }
0x21: {  	s26 =	sor.u32 $0x3000, s6;
	s6 =	sor.u32 $0x4000, s6;
	[dreg:$0x16] =	wrdreg s13  }
0x22: {  	s23 =	sadd.s32 s1, s5;
	s2 =	sadd.s32 s16, s25;
	[dreg:$0x18] =	wrdreg s17  }
0x23: {  	s29 =	sadd.s32 $0x80000, s31;
	s13 =	simm.s32 $0x80;
	s16 =	simm.s32 $0x6  }
0x24: {  	s17 =	simm.s32 $0x3;
	[dreg:$0x4] =	wrdreg s21;
	s30 =	sshrl.u32 s26, $0x3  }
0x25: {  	s6 =	sshrl.u32 s6, $0x3;
	[dreg:$0x17] =	wrdreg s2;
	s2 =	sadd.s32 $0x138000, s25  }
0x26: {  	s26 =	sadd.s32 $0x40000, s31;
	[dreg:$0x1b] =	wrdreg s29;
	s18 =	sadd.s32 s30, s8  }
0x27: {  	s19 =	sadd.s32 s6, s8;
	s6 =	sadd.s32 s9, s8;
	[dreg:$0x1a] =	wrdreg s26  }
0x28: {  	s30 =	sadd.s32 $0xC0000, s31;
	s8 =	simm.s32 $0x8;
	s9 =	simm.s32 $0x100  }
0x29: {  	s26 =	simm.s32 $0x4;
	s24 =	sadd.s32 s1, s6;
	s1 =	sadd.s32 s12, s11  }
0x2a: {  	[dreg:$0x1c] =	wrdreg s30;
	s6 =	simm.s32 $0x200;
	s1 =	sadd.s32 $0x4F6E00, s1  }
0x2b: {  	s11 =	simm.s32 $0x180;
	s12 =	simm.s32 $0x4200;
	[dreg:$0x19] =	wrdreg s1  }
.LBB2_1:
0x2c: {  	s1 =	rddreg [dreg:$0x15];
	s7 =	simm.s32 $0x7  }
0x2d: {  	[tilespmem:s6], [sflag:$0x7] =	stream.linear.gather [hbm4b:s1+s20], $0x4000, $0x38;
	[tilespmem:$0x1BA80] =	vst v63  }
0x2e: {  	_ =	swait.ge [sflag:s7], $0x4000  }
0x2f: {  	[sflag:s7] =	ssyncset.done $0x0  }
0x30: {  	[sflag:s7] =	ssyncadd.s32 $0xFFFFC000  }
0x31: {  	[spmem:s31] =	stream.linear.scatter [tilespmem:s6], [sflag:$0x8], $0x4000, $0x38;
	[tilespmem:$0x1BA80] =	vst v63  }
0x32: {  	_ =	swait.ge [sflag:s8], $0x4000  }
0x33: {  	[sflag:s8] =	ssyncset.done $0x0  }
0x34: {  	s29 =	rddreg [dreg:$0x1a];
	[sflag:s8] =	ssyncadd.s32 $0xFFFFC000  }
0x35: {  	[spmem:s29] =	stream.linear.scatter [tilespmem:s6], [sflag:$0x8], $0x4000, $0x38;
	[tilespmem:$0x1BA80] =	vst v63  }
0x36: {  	_ =	swait.ge [sflag:s8], $0x4000  }
0x37: {  	[sflag:s8] =	ssyncset.done $0x0  }
0x38: {  	s30 =	rddreg [dreg:$0x1b];
	[sflag:s8] =	ssyncadd.s32 $0xFFFFC000  }
0x39: {  	[spmem:s30] =	stream.linear.scatter [tilespmem:s6], [sflag:$0x8], $0x4000, $0x38;
	[tilespmem:$0x1BA80] =	vst v63  }
0x3a: {  	_ =	swait.ge [sflag:s8], $0x4000  }
0x3b: {  	[sflag:s8] =	ssyncset.done $0x0  }
0x3c: {  	s3 =	rddreg [dreg:$0x1c];
	[sflag:s8] =	ssyncadd.s32 $0xFFFFC000  }
0x3d: {  	[spmem:s3] =	stream.linear.scatter [tilespmem:s6], [sflag:$0x8], $0x4000, $0x38;
	[tilespmem:$0x1BA80] =	vst v63  }
0x3e: {  	_ =	swait.ge [sflag:s8], $0x4000  }
0x3f: {  	[sflag:s8] =	ssyncset.done $0x0  }
0x40: {  	s1 =	simm.s32 @p0 $0x200;
	s3 =	rddreg [dreg:$0x17];
	[sflag:s8] =	ssyncadd.s32 $0xFFFFC000  }
0x41: {  	[spmem:s3] =	stream.linear.scatter @p0 [tilespmem:s1], [sflag:$0x8], $0x4000, $0x38;
	[tilespmem:$0x1BA80] =	vst v63  }
0x42: {  	s1 =	simm.s32 @p0 $0x8  }
0x43: {  	_ =	swait.ge @p0 [sflag:s1], $0x4000  }
0x44: {  	[sflag:s1] =	ssyncset.done @p0 $0x0  }
0x45: {  	[sflag:s1] =	ssyncadd.s32 @p0 $0xFFFFC000;
	s1 =	simm.s32 @!p1 $0x200  }
0x46: {  	[spmem:s2] =	stream.linear.scatter @!p1 [tilespmem:s1], [sflag:$0x7], $0x800, $0x38;
	[tilespmem:$0x1BA80] =	vst v63  }
0x47: {  	s1 =	simm.s32 @!p1 $0x7  }
0x48: {  	_ =	swait.ge @!p1 [sflag:s1], $0x800  }
0x49: {  	[sflag:s1] =	ssyncset.done @!p1 $0x0  }
0x4a: {  	[sflag:s1] =	ssyncadd.s32 @!p1 $0xFFFFF800  }
0x4b: {  	[bflag:$0x0] =	sbarrier.arrive $0xFFFF  }
0x4c: {  	[tilespmem:s9], [sflag:$0x1] =	stream.linear.gather [hbm4b:s21+s20], $0x80, $0x38;
	[tilespmem:$0x1BA80] =	vst v63  }
0x4d: {  	s4 =	rddreg [dreg:$0x5]  }
0x4e: {  	[tilespmem:s6], [sflag:$0x1] =	stream.linear.gather [hbm4b:s4+s20], $0x4000, $0x38;
	[tilespmem:$0x1BA80] =	vst v63  }
0x4f: {  	_ =	swait.ge [sflag:s10], $0x80  }
0x50: {  	[sflag:s10] =	ssyncset.done $0x0  }
0x51: {  	[sflag:s10] =	ssyncadd.s32 $0xFFFFFF80  }
0x52: {  	_ =	swait.ge [sflag:s10], $0x4000  }
0x53: {  	[sflag:s10] =	ssyncset.done $0x0  }
0x54: {  	s5 =	rddreg [dreg:$0xb];
	[sflag:s10] =	ssyncadd.s32 $0xFFFFC000  }
0x55: {  	[tilespmem:s11], [sflag:$0x2] =	stream.linear.gather [hbm4b:s5+s20], $0x80, $0x38;
	[tilespmem:$0x1BA80] =	vst v63  }
0x56: {  	s7 =	rddreg [dreg:$0xc]  }
0x57: {  	[tilespmem:s12], [sflag:$0x2] =	stream.linear.gather [hbm4b:s7+s20], $0x4000, $0x38;
	[tilespmem:$0x1BA80] =	vst v63  }
0x58: {  	_ = 	snop  }
0x59: {  	[spmem:s25] =	stream.indirect.scatter.add.f32 [tilespmem:s6], [sflag:$0x5], $0x80, s9, s13, $0xb8;
	[tilespmem:$0x1BA80] =	vst v63  }
0x5a: {  	_ =	swait.ge [sflag:s14], $0x80  }
0x5b: {  	[sflag:s14] =	ssyncset.done $0x0  }
0x5c: {  	[sflag:s14] =	ssyncadd.s32 $0xFFFFFF80  }
0x5d: {  	_ =	swait.ge [sflag:s14], $0x4000  }
0x5e: {  	[sflag:s14] =	ssyncset.done $0x0  }
0x5f: {  	s29 =	rddreg [dreg:$0xd];
	[sflag:s14] =	ssyncadd.s32 $0xFFFFC000  }
0x60: {  	[tilespmem:s9], [sflag:$0x1] =	stream.linear.gather [hbm4b:s29+s20], $0x80, $0x38;
	[tilespmem:$0x1BA80] =	vst v63  }
0x61: {  	s30 =	rddreg [dreg:$0xe]  }
0x62: {  	[tilespmem:s6], [sflag:$0x1] =	stream.linear.gather [hbm4b:s30+s20], $0x4000, $0x38;
	[tilespmem:$0x1BA80] =	vst v63  }
0x63: {  	s4 =	simm.s32 $0x0;
	s3 =	rddreg [dreg:$0x18]  }
0x64: {  	[spmem:s25] =	stream.indirect.scatter.add.f32 [tilespmem:s12], [sflag:$0x6], $0x80, s11, s13, $0xb8;
	[tilespmem:$0x1BA80] =	vst v63  }
.LBB2_2:
0x65: {  	_ =	swait.ge [sflag:s15], $0x4000  }
0x66: {  	[sflag:s15] =	ssyncset.done $0x0  }
0x67: {  	[sflag:s15] =	ssyncadd.s32 $0xFFFFC000  }
0x68: {  	_ =	swait.ge [sflag:s10], $0x80  }
0x69: {  	[sflag:s10] =	ssyncset.done $0x0  }
0x6a: {  	[sflag:s10] =	ssyncadd.s32 $0xFFFFFF80  }
0x6b: {  	_ =	swait.ge [sflag:s10], $0x4000  }
0x6c: {  	[sflag:s10] =	ssyncset.done $0x0  }
0x6d: {  	s1 =	sadd.s32 s4, s18;
	[sflag:s10] =	ssyncadd.s32 $0xFFFFC000  }
0x6e: {  	[tilespmem:s11], [sflag:$0x2] =	stream.linear.gather [hbm4b:s1+s20], $0x80, $0x38;
	[tilespmem:$0x1BA80] =	vst v63  }
0x6f: {  	_ = 	snop  }
0x70: {  	[tilespmem:s12], [sflag:$0x2] =	stream.linear.gather [hbm4b:s3+s20], $0x4000, $0x38;
	[tilespmem:$0x1BA80] =	vst v63  }
0x71: {  	_ = 	snop  }
0x72: {  	[spmem:s25] =	stream.indirect.scatter.add.f32 [tilespmem:s6], [sflag:$0x5], $0x80, s9, s13, $0xb8;
	[tilespmem:$0x1BA80] =	vst v63  }
0x73: {  	_ =	swait.ge [sflag:s16], $0x4000  }
0x74: {  	[sflag:s16] =	ssyncset.done $0x0  }
0x75: {  	[sflag:s16] =	ssyncadd.s32 $0xFFFFC000  }
0x76: {  	p3 =	seq.s32 s4, $0x9400;
	_ =	swait.ge [sflag:s14], $0x80  }
.Ltmp0:
0x77: {  	[sflag:s14] =	ssyncset.done $0x0;
	(pc) =	sbr.rel @p3 .LBB2_4-.Ltmp0, $4  }
0x78: {  	[sflag:s14] =	ssyncadd.s32 $0xFFFFFF80  }
0x79: {  	_ =	swait.ge [sflag:s14], $0x4000  }
0x7a: {  	[sflag:s14] =	ssyncset.done $0x0  }
0x7b: {  	[sflag:s14] =	ssyncadd.s32 $0xFFFFC000  }
0x7c: {  	s1 =	sadd.s32 s4, s19  }
0x7d: {  	[tilespmem:s9], [sflag:$0x1] =	stream.linear.gather [hbm4b:s1+s20], $0x80, $0x38;
	[tilespmem:$0x1BA80] =	vst v63  }
.Ltmp1:
0x7e: {  	_ = 	snop;
	(pc) =	sbr.rel .LBB2_2-.Ltmp1, $4  }
0x7f: {  	s30 =	sadd.s32 $0x10000, s3  }
0x80: {  	[tilespmem:s6], [sflag:$0x1] =	stream.linear.gather [hbm4b:s30+s20], $0x4000, $0x38;
	[tilespmem:$0x1BA80] =	vst v63  }
0x81: {  	s4 =	sadd.s32 $0x400, s4;
	s3 =	sadd.s32 $0x20000, s3  }
0x82: {  	[spmem:s25] =	stream.indirect.scatter.add.f32 [tilespmem:s12], [sflag:$0x6], $0x80, s11, s13, $0xb8;
	[tilespmem:$0x1BA80] =	vst v63  }
.LBB2_4:
0x83: {  	[spmem:s25] =	stream.indirect.scatter.add.f32 [tilespmem:s12], [sflag:$0x6], $0x80, s11, s13, $0xb8;
	[tilespmem:$0x1BA80] =	vst v63  }
0x84: {  	_ =	swait.ge [sflag:s15], $0x4000  }
0x85: {  	[sflag:s15] =	ssyncset.done $0x0  }
0x86: {  	[sflag:s15] =	ssyncadd.s32 $0xFFFFC000  }
0x87: {  	_ =	swait.ge [sflag:s16], $0x4000  }
0x88: {  	s1 =	simm.s32 @!p2 $0x0;
	[sflag:s16] =	ssyncset.done $0x0  }
0x89: {  	s3 =	simm.s32 @!p2 $0x100;
	s4 =	rddreg [dreg:$0x6];
	[sflag:s16] =	ssyncadd.s32 $0xFFFFC000  }
0x8a: {  	[tilespmem:s3], [sflag:$0x7] =	stream.linear.gather @!p2 [hbm4b:s4+s1], $0x80, $0x38;
	[tilespmem:$0x1BA80] =	vst v63  }
0x8b: {  	s4 =	simm.s32 @!p2 $0x7  }
0x8c: {  	_ =	swait.ge @!p2 [sflag:s4], $0x80  }
0x8d: {  	[sflag:s4] =	ssyncset.done @!p2 $0x0  }
0x8e: {  	s7 =	simm.s32 @!p2 $0x200;
	s5 =	rddreg [dreg:$0x7];
	[sflag:s4] =	ssyncadd.s32 @!p2 $0xFFFFFF80  }
0x8f: {  	[tilespmem:s7], [sflag:$0x7] =	stream.linear.gather @!p2 [hbm4b:s5+s1], $0x4000, $0x38;
	[tilespmem:$0x1BA80] =	vst v63  }
0x90: {  	_ =	swait.ge @!p2 [sflag:s4], $0x4000  }
0x91: {  	[sflag:s4] =	ssyncset.done @!p2 $0x0  }
0x92: {  	s1 =	simm.s32 @!p2 $0x80;
	[sflag:s4] =	ssyncadd.s32 @!p2 $0xFFFFC000  }
0x93: {  	[spmem:s25] =	stream.indirect.scatter.add.f32 @!p2 [tilespmem:s7], [sflag:$0x7], $0x80, s3, s1, $0xb8;
	[tilespmem:$0x1BA80] =	vst v63  }
0x94: {  	_ =	swait.ge @!p2 [sflag:s4], $0x4000  }
0x95: {  	[sflag:s4] =	ssyncset.done @!p2 $0x0  }
0x96: {  	s1 =	simm.s32 $0x0;
	[sflag:s4] =	ssyncadd.s32 @!p2 $0xFFFFC000;
	s4 =	rddreg [dreg:$0x8]  }
0x97: {  	[tilespmem:s1], [sflag:$0x1] =	stream.linear.gather [hbm4b:s4+s1], $0x80, $0x38;
	[tilespmem:$0x1BA80] =	vst v63  }
0x98: {  	_ = 	snop  }
0x99: {  	[tilespmem:s9], [sflag:$0x1] =	stream.linear.gather [hbm4b:s21+s1], $0x80, $0x38;
	[tilespmem:$0x1BA80] =	vst v63  }
0x9a: {  	_ =	swait.ge [sflag:s10], $0x80  }
0x9b: {  	[sflag:s10] =	ssyncset.done $0x0  }
0x9c: {  	[sflag:s10] =	ssyncadd.s32 $0xFFFFFF80  }
0x9d: {  	_ =	swait.ge [sflag:s10], $0x80  }
0x9e: {  	[sflag:s10] =	ssyncset.done $0x0  }
0x9f: {  	s5 =	rddreg [dreg:$0xf];
	[sflag:s10] =	ssyncadd.s32 $0xFFFFFF80  }
0xa0: {  	[tilespmem:s13], [sflag:$0x2] =	stream.linear.gather [hbm4b:s5+s1], $0x80, $0x38;
	[tilespmem:$0x1BA80] =	vst v63  }
0xa1: {  	s7 =	rddreg [dreg:$0x10]  }
0xa2: {  	[tilespmem:s11], [sflag:$0x2] =	stream.linear.gather [hbm4b:s7+s1], $0x80, $0x38;
	[tilespmem:$0x1BA80] =	vst v63  }
0xa3: {  	_ = 	snop  }
0xa4: {  	[tilespmem:s6], [sflag:$0x3] =	stream.indirect.gather [hbm4b:s22+s13], $0x80, s1, s13, $0xb8;
	[tilespmem:$0x1BA80] =	vst v63  }
0xa5: {  	_ =	swait.ge [sflag:s17], $0x4000  }
0xa6: {  	[sflag:s17] =	ssyncset.done $0x0  }
0xa7: {  	[sflag:s17] =	ssyncadd.s32 $0xFFFFC000  }
0xa8: {  	[spmem:s25] =	stream.indirect.scatter.add.f32 [tilespmem:s6], [sflag:$0x5], $0x80, s9, s13, $0xb8;
	[tilespmem:$0x1BA80] =	vst v63  }
0xa9: {  	_ =	swait.ge [sflag:s14], $0x80  }
0xaa: {  	[sflag:s14] =	ssyncset.done $0x0  }
0xab: {  	[sflag:s14] =	ssyncadd.s32 $0xFFFFFF80  }
0xac: {  	_ =	swait.ge [sflag:s14], $0x80  }
0xad: {  	[sflag:s14] =	ssyncset.done $0x0  }
0xae: {  	s21 =	rddreg [dreg:$0x11];
	[sflag:s14] =	ssyncadd.s32 $0xFFFFFF80  }
0xaf: {  	[tilespmem:s1], [sflag:$0x1] =	stream.linear.gather [hbm4b:s21+s1], $0x80, $0x38;
	[tilespmem:$0x1BA80] =	vst v63  }
0xb0: {  	s29 =	rddreg [dreg:$0x12]  }
0xb1: {  	[tilespmem:s9], [sflag:$0x1] =	stream.linear.gather [hbm4b:s29+s1], $0x80, $0x38;
	[tilespmem:$0x1BA80] =	vst v63  }
0xb2: {  	_ = 	snop  }
0xb3: {  	[tilespmem:s12], [sflag:$0x4] =	stream.indirect.gather [hbm4b:s22+s13], $0x80, s13, s13, $0xb8;
	[tilespmem:$0x1BA80] =	vst v63  }
0xb4: {  	_ =	swait.ge [sflag:s26], $0x4000  }
0xb5: {  	[sflag:s26] =	ssyncset.done $0x0  }
0xb6: {  	[sflag:s26] =	ssyncadd.s32 $0xFFFFC000  }
0xb7: {  	[spmem:s25] =	stream.indirect.scatter.add.f32 [tilespmem:s12], [sflag:$0x6], $0x80, s11, s13, $0xb8;
	[tilespmem:$0x1BA80] =	vst v63  }
0xb8: {  	_ =	swait.ge [sflag:s15], $0x4000  }
0xb9: {  	[sflag:s15] =	ssyncset.done $0x0  }
0xba: {  	[sflag:s15] =	ssyncadd.s32 $0xFFFFC000  }
0xbb: {  	_ =	swait.ge [sflag:s10], $0x80  }
0xbc: {  	[sflag:s10] =	ssyncset.done $0x0  }
0xbd: {  	[sflag:s10] =	ssyncadd.s32 $0xFFFFFF80  }
0xbe: {  	_ =	swait.ge [sflag:s10], $0x80  }
0xbf: {  	s4 =	sadd.s32 $0x0, s23;
	[sflag:s10] =	ssyncset.done $0x0  }
0xc0: {  	s5 =	sadd.s32 $0x600, s4;
	s7 =	sadd.s32 $0x0, s24;
	[sflag:s10] =	ssyncadd.s32 $0xFFFFFF80  }
0xc1: {  	[tilespmem:s13], [sflag:$0x2] =	stream.linear.gather [hbm4b:s5+s20], $0x80, $0x38;
	[tilespmem:$0x1BA80] =	vst v63  }
0xc2: {  	s21 =	sadd.s32 $0x600, s7  }
0xc3: {  	[tilespmem:s11], [sflag:$0x2] =	stream.linear.gather [hbm4b:s21+s20], $0x80, $0x38;
	[tilespmem:$0x1BA80] =	vst v63  }
0xc4: {  	_ = 	snop  }
0xc5: {  	[tilespmem:s6], [sflag:$0x3] =	stream.indirect.gather [hbm4b:s22+s13], $0x80, s20, s13, $0xb8;
	[tilespmem:$0x1BA80] =	vst v63  }
0xc6: {  	_ =	swait.ge [sflag:s17], $0x4000  }
0xc7: {  	[sflag:s17] =	ssyncset.done $0x0  }
0xc8: {  	[sflag:s17] =	ssyncadd.s32 $0xFFFFC000  }
0xc9: {  	[spmem:s25] =	stream.indirect.scatter.add.f32 [tilespmem:s6], [sflag:$0x5], $0x80, s9, s13, $0xb8;
	[tilespmem:$0x1BA80] =	vst v63  }
0xca: {  	_ =	swait.ge [sflag:s16], $0x4000  }
0xcb: {  	[sflag:s16] =	ssyncset.done $0x0  }
0xcc: {  	[sflag:s16] =	ssyncadd.s32 $0xFFFFC000  }
0xcd: {  	_ =	swait.ge [sflag:s14], $0x80  }
0xce: {  	[sflag:s14] =	ssyncset.done $0x0  }
0xcf: {  	[sflag:s14] =	ssyncadd.s32 $0xFFFFFF80  }
0xd0: {  	_ =	swait.ge [sflag:s14], $0x80  }
0xd1: {  	[sflag:s14] =	ssyncset.done $0x0  }
0xd2: {  	s1 =	sadd.s32 $0x800, s4;
	[sflag:s14] =	ssyncadd.s32 $0xFFFFFF80  }
0xd3: {  	[tilespmem:s20], [sflag:$0x1] =	stream.linear.gather [hbm4b:s1+s20], $0x80, $0x38;
	[tilespmem:$0x1BA80] =	vst v63  }
0xd4: {  	s29 =	sadd.s32 $0x800, s7  }
0xd5: {  	[tilespmem:s9], [sflag:$0x1] =	stream.linear.gather [hbm4b:s29+s20], $0x80, $0x38;
	[tilespmem:$0x1BA80] =	vst v63  }
0xd6: {  	_ = 	snop  }
0xd7: {  	[tilespmem:s12], [sflag:$0x4] =	stream.indirect.gather [hbm4b:s22+s13], $0x80, s13, s13, $0xb8;
	[tilespmem:$0x1BA80] =	vst v63  }
0xd8: {  	_ =	swait.ge [sflag:s26], $0x4000  }
0xd9: {  	[sflag:s26] =	ssyncset.done $0x0  }
0xda: {  	s30 =	simm.s32 $0x400;
	[sflag:s26] =	ssyncadd.s32 $0xFFFFC000  }
.LBB2_5:
0xdb: {  	[spmem:s25] =	stream.indirect.scatter.add.f32 [tilespmem:s12], [sflag:$0x6], $0x80, s11, s13, $0xb8;
	[tilespmem:$0x1BA80] =	vst v63  }
0xdc: {  	s1 =	smov.u32 s30  }
0xdd: {  	p3 =	sne.s32 s30, $0x9000;
	s30 =	sadd.s32 $0x400, s30;
	_ =	swait.ge [sflag:s15], $0x4000  }
0xde: {  	[sflag:s15] =	ssyncset.done $0x0  }
0xdf: {  	[sflag:s15] =	ssyncadd.s32 $0xFFFFC000  }
0xe0: {  	_ =	swait.ge [sflag:s10], $0x80  }
0xe1: {  	[sflag:s10] =	ssyncset.done $0x0  }
0xe2: {  	[sflag:s10] =	ssyncadd.s32 $0xFFFFFF80  }
0xe3: {  	_ =	swait.ge [sflag:s10], $0x80  }
0xe4: {  	s3 =	sadd.s32 s1, s23;
	[sflag:s10] =	ssyncset.done $0x0  }
0xe5: {  	s1 =	sadd.s32 s1, s24;
	s4 =	sadd.s32 $0x600, s3;
	[sflag:s10] =	ssyncadd.s32 $0xFFFFFF80  }
0xe6: {  	[tilespmem:s13], [sflag:$0x2] =	stream.linear.gather [hbm4b:s4+s20], $0x80, $0x38;
	[tilespmem:$0x1BA80] =	vst v63  }
0xe7: {  	s4 =	sadd.s32 $0x600, s1  }
0xe8: {  	[tilespmem:s11], [sflag:$0x2] =	stream.linear.gather [hbm4b:s4+s20], $0x80, $0x38;
	[tilespmem:$0x1BA80] =	vst v63  }
0xe9: {  	_ = 	snop  }
0xea: {  	[tilespmem:s6], [sflag:$0x3] =	stream.indirect.gather [hbm4b:s22+s13], $0x80, s20, s13, $0xb8;
	[tilespmem:$0x1BA80] =	vst v63  }
0xeb: {  	_ =	swait.ge [sflag:s17], $0x4000  }
0xec: {  	[sflag:s17] =	ssyncset.done $0x0  }
0xed: {  	[sflag:s17] =	ssyncadd.s32 $0xFFFFC000  }
0xee: {  	[spmem:s25] =	stream.indirect.scatter.add.f32 [tilespmem:s6], [sflag:$0x5], $0x80, s9, s13, $0xb8;
	[tilespmem:$0x1BA80] =	vst v63  }
0xef: {  	_ =	swait.ge [sflag:s16], $0x4000  }
0xf0: {  	[sflag:s16] =	ssyncset.done $0x0  }
0xf1: {  	[sflag:s16] =	ssyncadd.s32 $0xFFFFC000  }
0xf2: {  	_ =	swait.ge [sflag:s14], $0x80  }
0xf3: {  	[sflag:s14] =	ssyncset.done $0x0  }
0xf4: {  	[sflag:s14] =	ssyncadd.s32 $0xFFFFFF80  }
0xf5: {  	_ =	swait.ge [sflag:s14], $0x80  }
0xf6: {  	[sflag:s14] =	ssyncset.done $0x0  }
0xf7: {  	s3 =	sadd.s32 $0x800, s3;
	[sflag:s14] =	ssyncadd.s32 $0xFFFFFF80  }
0xf8: {  	[tilespmem:s20], [sflag:$0x1] =	stream.linear.gather [hbm4b:s3+s20], $0x80, $0x38;
	[tilespmem:$0x1BA80] =	vst v63  }
0xf9: {  	s1 =	sadd.s32 $0x800, s1  }
0xfa: {  	[tilespmem:s9], [sflag:$0x1] =	stream.linear.gather [hbm4b:s1+s20], $0x80, $0x38;
	[tilespmem:$0x1BA80] =	vst v63  }
.Ltmp2:
0xfb: {  	(pc) =	sbr.rel @p3 .LBB2_5-.Ltmp2, $4  }
0xfc: {  	[tilespmem:s12], [sflag:$0x4] =	stream.indirect.gather [hbm4b:s22+s13], $0x80, s13, s13, $0xb8;
	[tilespmem:$0x1BA80] =	vst v63  }
0xfd: {  	_ =	swait.ge [sflag:s26], $0x4000  }
0xfe: {  	[sflag:s26] =	ssyncset.done $0x0  }
0xff: {  	[sflag:s26] =	ssyncadd.s32 $0xFFFFC000  }
0x100: {  	[spmem:s25] =	stream.indirect.scatter.add.f32 [tilespmem:s12], [sflag:$0x6], $0x80, s11, s13, $0xb8;
	[tilespmem:$0x1BA80] =	vst v63  }
0x101: {  	_ =	swait.ge [sflag:s15], $0x4000  }
0x102: {  	[sflag:s15] =	ssyncset.done $0x0  }
0x103: {  	[sflag:s15] =	ssyncadd.s32 $0xFFFFC000  }
0x104: {  	_ =	swait.ge [sflag:s10], $0x80  }
0x105: {  	[sflag:s10] =	ssyncset.done $0x0  }
0x106: {  	[sflag:s10] =	ssyncadd.s32 $0xFFFFFF80  }
0x107: {  	_ =	swait.ge [sflag:s10], $0x80  }
0x108: {  	[sflag:s10] =	ssyncset.done $0x0  }
0x109: {  	s1 =	rddreg [dreg:$0x13];
	[sflag:s10] =	ssyncadd.s32 $0xFFFFFF80  }
0x10a: {  	[tilespmem:s13], [sflag:$0x2] =	stream.linear.gather [hbm4b:s1+s20], $0x80, $0x38;
	[tilespmem:$0x1BA80] =	vst v63  }
0x10b: {  	s7 =	rddreg [dreg:$0x14]  }
0x10c: {  	[tilespmem:s11], [sflag:$0x2] =	stream.linear.gather [hbm4b:s7+s20], $0x80, $0x38;
	[tilespmem:$0x1BA80] =	vst v63  }
0x10d: {  	_ = 	snop  }
0x10e: {  	[tilespmem:s6], [sflag:$0x3] =	stream.indirect.gather [hbm4b:s22+s13], $0x80, s20, s13, $0xb8;
	[tilespmem:$0x1BA80] =	vst v63  }
0x10f: {  	_ =	swait.ge [sflag:s17], $0x4000  }
0x110: {  	[sflag:s17] =	ssyncset.done $0x0  }
0x111: {  	[sflag:s17] =	ssyncadd.s32 $0xFFFFC000  }
0x112: {  	[spmem:s25] =	stream.indirect.scatter.add.f32 [tilespmem:s6], [sflag:$0x5], $0x80, s9, s13, $0xb8;
	[tilespmem:$0x1BA80] =	vst v63  }
0x113: {  	_ =	swait.ge [sflag:s16], $0x4000  }
0x114: {  	[sflag:s16] =	ssyncset.done $0x0  }
0x115: {  	[sflag:s16] =	ssyncadd.s32 $0xFFFFC000  }
0x116: {  	_ =	swait.ge [sflag:s14], $0x80  }
0x117: {  	[sflag:s14] =	ssyncset.done $0x0  }
0x118: {  	[sflag:s14] =	ssyncadd.s32 $0xFFFFFF80  }
0x119: {  	_ =	swait.ge [sflag:s14], $0x80  }
0x11a: {  	[sflag:s14] =	ssyncset.done $0x0  }
0x11b: {  	[sflag:s14] =	ssyncadd.s32 $0xFFFFFF80  }
0x11c: {  	[tilespmem:s12], [sflag:$0x4] =	stream.indirect.gather [hbm4b:s22+s13], $0x80, s13, s13, $0xb8;
	[tilespmem:$0x1BA80] =	vst v63  }
0x11d: {  	_ =	swait.ge [sflag:s26], $0x4000  }
0x11e: {  	[sflag:s26] =	ssyncset.done $0x0  }
0x11f: {  	[sflag:s26] =	ssyncadd.s32 $0xFFFFC000  }
0x120: {  	[spmem:s25] =	stream.indirect.scatter.add.f32 [tilespmem:s12], [sflag:$0x6], $0x80, s11, s13, $0xb8;
	[tilespmem:$0x1BA80] =	vst v63  }
0x121: {  	_ =	swait.ge [sflag:s15], $0x4000  }
0x122: {  	[sflag:s15] =	ssyncset.done $0x0  }
0x123: {  	[sflag:s15] =	ssyncadd.s32 $0xFFFFC000  }
0x124: {  	_ =	swait.ge [sflag:s16], $0x4000  }
0x125: {  	[sflag:s16] =	ssyncset.done $0x0  }
0x126: {  	s1 =	simm.s32 @!p2 $0x0;
	s3 =	rddreg [dreg:$0x9];
	[sflag:s16] =	ssyncadd.s32 $0xFFFFC000  }
0x127: {  	[tilespmem:s1], [sflag:$0x7] =	stream.linear.gather @!p2 [hbm4b:s3+s1], $0x80, $0x38;
	[tilespmem:$0x1BA80] =	vst v63  }
0x128: {  	s3 =	simm.s32 @!p2 $0x7  }
0x129: {  	_ =	swait.ge @!p2 [sflag:s3], $0x80  }
0x12a: {  	[sflag:s3] =	ssyncset.done @!p2 $0x0  }
0x12b: {  	s4 =	simm.s32 @!p2 $0x100;
	s5 =	rddreg [dreg:$0xa];
	[sflag:s3] =	ssyncadd.s32 @!p2 $0xFFFFFF80  }
0x12c: {  	[tilespmem:s4], [sflag:$0x7] =	stream.linear.gather @!p2 [hbm4b:s5+s1], $0x80, $0x38;
	[tilespmem:$0x1BA80] =	vst v63  }
0x12d: {  	_ =	swait.ge @!p2 [sflag:s3], $0x80  }
0x12e: {  	[sflag:s3] =	ssyncset.done @!p2 $0x0  }
0x12f: {  	s21 =	simm.s32 @!p2 $0x200;
	s7 =	simm.s32 @!p2 $0x80;
	[sflag:s3] =	ssyncadd.s32 @!p2 $0xFFFFFF80  }
0x130: {  	[tilespmem:s21], [sflag:$0x3] =	stream.indirect.gather @!p2 [hbm4b:s22+s7], $0x80, s1, s7, $0xb8;
	[tilespmem:$0x1BA80] =	vst v63  }
0x131: {  	s1 =	simm.s32 @!p2 $0x3  }
0x132: {  	_ =	swait.ge @!p2 [sflag:s1], $0x4000  }
0x133: {  	[sflag:s1] =	ssyncset.done @!p2 $0x0  }
0x134: {  	[sflag:s1] =	ssyncadd.s32 @!p2 $0xFFFFC000;
	s1 =	sadd.s32 $0xFFFFFFB0, s0  }
0x135: {  	[spmem:s25] =	stream.indirect.scatter.add.f32 @!p2 [tilespmem:s21], [sflag:$0x7], $0x80, s4, s7, $0xb8;
	[tilespmem:$0x1BA80] =	vst v63  }
0x136: {  	s21 =	sadd.s32 $0x50, s1  }
0x137: {  	_ =	swait.ge @!p2 [sflag:s3], $0x4000;
	p3 =	sgt.u32 s21, $0x4D  }
0x138: {  	[sflag:s3] =	ssyncset.done @!p2 $0x0;
	p4 =	sne.s32 @p3 s1, $0xFFFFFFFE  }
0x139: {  	[sflag:s3] =	ssyncadd.s32 @!p2 $0xFFFFC000;
	p4 =	por p4, !p3  }
0x13a: {  	[bflag:$0x0] =	sbarrier.arrive $0xFFFF;
	s1 =	simm.s32 @!p4 $0x200;
	s3 =	simm.s32 @!p4 $0x8  }
0x13b: {  	[tilespmem:s1], [sflag:$0x8] =	stream.linear.gather @!p4 [spmem:s2], $0x800, $0x38;
	[tilespmem:$0x1BA80] =	vst v63  }
0x13c: {  	_ =	swait.ge @!p4 [sflag:s3], $0x800  }
0x13d: {  	s7 =	simm.s32 @!p4 $0x7;
	[sflag:s3] =	ssyncset.done @!p4 $0x0  }
0x13e: {  	s5 =	rddreg [dreg:$0x19];
	[sflag:s3] =	ssyncadd.s32 @!p4 $0xFFFFF800;
	s3 =	simm.s32 @!p4 $0x0  }
0x13f: {  	[hbm4b:s5+s3] =	stream.linear.scatter @!p4 [tilespmem:s1], [sflag:$0x7], $0x800, $0x38;
	[tilespmem:$0x1BA80] =	vst v63  }
0x140: {  	s29 =	smov.u32 s31;
	p3 =	por p3, p3;
	_ =	swait.ge @!p4 [sflag:s7], $0x800  }
0x141: {  	s4 =	simm.s32 @!p3 $0x8;
	s30 =	sadd.s32 $0x8000, s5;
	[sflag:s7] =	ssyncset.done @!p4 $0x0  }
0x142: {  	s1 =	sadd.s32 $0xFFFFFFC0, s0;
	[sflag:s7] =	ssyncadd.s32 @!p4 $0xFFFFF800;
	s7 =	simm.s32 @!p3 $0x200  }
0x143: {  	[tilespmem:s7], [sflag:$0x8] =	stream.linear.gather @!p3 [spmem:s31], $0x4000, $0x38;
	[tilespmem:$0x1BA80] =	vst v63  }
0x144: {  	s3 =	simm.s32 $0xFFFFFFD0;
	s21 =	sadd.s32 $0x50, s1;
	_ =	swait.ge @!p3 [sflag:s4], $0x4000  }
0x145: {  	p4 =	sgt.u32 s21, $0x4D;
	s21 =	smov.u32 s5;
	[sflag:s4] =	ssyncset.done @!p3 $0x0  }
0x146: {  	p6 =	sne.s32 @p4 s1, $0xFFFFFFFE;
	s1 =	simm.s32 @!p3 $0x0;
	[sflag:s4] =	ssyncadd.s32 @!p3 $0xFFFFC000  }
.LBB2_7:
0x147: {  	p6 =	por p6, !p4  }
0x148: {  	s29 =	sadd.s32 $0x40000, s29;
	s5 =	smov.u32 s3;
	s3 =	sadd.s32 $0x10, s3  }
0x149: {  	[hbm4b:s21+s1] =	stream.linear.scatter @!p3 [tilespmem:s7], [sflag:$0x8], $0x4000, $0x38;
	[tilespmem:$0x1BA80] =	vst v63  }
0x14a: {  	p5 =	sne.s32 s3, $0x0;
	s21 =	smov.u32 s30;
	_ =	swait.ge @!p3 [sflag:s4], $0x4000  }
0x14b: {  	[sflag:s4] =	ssyncset.done @!p3 $0x0  }
0x14c: {  	s1 =	simm.s32 @!p6 $0x200;
	s7 =	simm.s32 @!p6 $0x8;
	[sflag:s4] =	ssyncadd.s32 @!p3 $0xFFFFC000  }
0x14d: {  	[tilespmem:s1], [sflag:$0x8] =	stream.linear.gather @!p6 [spmem:s2], $0x800, $0x38;
	[tilespmem:$0x1BA80] =	vst v63  }
0x14e: {  	p3 =	por p4, p4;
	_ =	swait.ge @!p6 [sflag:s7], $0x800  }
0x14f: {  	[sflag:s7] =	ssyncset.done @!p6 $0x0  }
0x150: {  	s4 =	simm.s32 @!p6 $0x0;
	[sflag:s7] =	ssyncadd.s32 @!p6 $0xFFFFF800;
	s7 =	simm.s32 @!p6 $0x7  }
0x151: {  	[hbm4b:s30+s4] =	stream.linear.scatter @!p6 [tilespmem:s1], [sflag:$0x7], $0x800, $0x38;
	[tilespmem:$0x1BA80] =	vst v63  }
0x152: {  	_ =	swait.ge @!p6 [sflag:s7], $0x800  }
0x153: {  	s4 =	simm.s32 @!p3 $0x8;
	s1 =	sadd.s32 s5, s0;
	[sflag:s7] =	ssyncset.done @!p6 $0x0  }
.Ltmp3:
0x154: {  	[sflag:s7] =	ssyncadd.s32 @!p6 $0xFFFFF800;
	s7 =	simm.s32 @!p3 $0x200;
	(pc) =	sbr.rel @p5 .LBB2_7-.Ltmp3, $4  }
0x155: {  	[tilespmem:s7], [sflag:$0x8] =	stream.linear.gather @!p3 [spmem:s29], $0x4000, $0x38;
	[tilespmem:$0x1BA80] =	vst v63  }
0x156: {  	s5 =	sadd.s32 $0x50, s1;
	_ =	swait.ge @!p3 [sflag:s4], $0x4000  }
0x157: {  	s30 =	sadd.s32 $0x8000, s30;
	p4 =	sgt.u32 s5, $0x4D;
	[sflag:s4] =	ssyncset.done @!p3 $0x0  }
0x158: {  	p6 =	sne.s32 @p4 s1, $0xFFFFFFFE;
	s1 =	simm.s32 @!p3 $0x0;
	[sflag:s4] =	ssyncadd.s32 @!p3 $0xFFFFC000  }
0x159: {  	[hbm4b:s21+s1] =	stream.linear.scatter @!p3 [tilespmem:s7], [sflag:$0x8], $0x4000, $0x38;
	[tilespmem:$0x1BA80] =	vst v63  }
0x15a: {  	_ =	swait.ge @!p3 [sflag:s4], $0x4000  }
0x15b: {  	p5 =	por p6, !p4;
	[sflag:s4] =	ssyncset.done @!p3 $0x0  }
0x15c: {  	s1 =	simm.s32 @!p5 $0x200;
	s3 =	simm.s32 @!p5 $0x8;
	[sflag:s4] =	ssyncadd.s32 @!p3 $0xFFFFC000  }
0x15d: {  	[tilespmem:s1], [sflag:$0x8] =	stream.linear.gather @!p5 [spmem:s2], $0x800, $0x38;
	[tilespmem:$0x1BA80] =	vst v63  }
0x15e: {  	_ =	swait.ge @!p5 [sflag:s3], $0x800  }
0x15f: {  	[sflag:s3] =	ssyncset.done @!p5 $0x0  }
0x160: {  	s4 =	simm.s32 @!p5 $0x7;
	[sflag:s3] =	ssyncadd.s32 @!p5 $0xFFFFF800;
	s3 =	simm.s32 @!p5 $0x0  }
0x161: {  	[hbm4b:s30+s3] =	stream.linear.scatter @!p5 [tilespmem:s1], [sflag:$0x7], $0x800, $0x38;
	[tilespmem:$0x1BA80] =	vst v63  }
0x162: {  	_ =	swait.ge @!p5 [sflag:s4], $0x800  }
0x163: {  	p3 =	por p4, p4;
	s1 =	sadd.s32 $0x40000, s29;
	[sflag:s4] =	ssyncset.done @!p5 $0x0  }
0x164: {  	s3 =	simm.s32 @!p3 $0x8;
	[sflag:s4] =	ssyncadd.s32 @!p5 $0xFFFFF800;
	s4 =	simm.s32 @!p3 $0x200  }
0x165: {  	[tilespmem:s4], [sflag:$0x8] =	stream.linear.gather @!p3 [spmem:s1], $0x4000, $0x38;
	[tilespmem:$0x1BA80] =	vst v63  }
0x166: {  	_ =	swait.ge @!p3 [sflag:s3], $0x4000  }
0x167: {  	[sflag:s3] =	ssyncset.done @!p3 $0x0  }
0x168: {  	s1 =	simm.s32 @!p3 $0x0;
	[sflag:s3] =	ssyncadd.s32 @!p3 $0xFFFFC000  }
0x169: {  	[hbm4b:s30+s1] =	stream.linear.scatter @!p3 [tilespmem:s4], [sflag:$0x8], $0x4000, $0x38;
	[tilespmem:$0x1BA80] =	vst v63  }
0x16a: {  	_ =	swait.ge @!p3 [sflag:s3], $0x4000  }
0x16b: {  	s28 =	sadd.s32 $0x1, s28;
	s30 =	rddreg [dreg:$0x16]  }
0x16c: {  	p4 =	sne.s32 s28, s30  }
.Ltmp4:
0x16d: {  	_ = 	snop;
	(pc) =	sbr.rel @p4 .LBB2_1-.Ltmp4, $3  }
0x16e: {  	_ =	sdelay $0x1  }
0x16f: {  	[sflag:s3] =	ssyncset.done @!p3 $0x0  }
0x170: {  	s21 =	rddreg [dreg:$0x4];
	[sflag:s3] =	ssyncadd.s32 @!p3 $0xFFFFC000  }
0x171: {  	_ =	sfence.sel $0x180000  }
0x172: {  	[bflag:$0x0] =	sbarrier.arrive $0xFFFF  }
0x173: {  	_ =	strace $0x90000047  }
0x174: {  	[bflag:$0x2] =	sbarrier.arrive $0xFFFF  }
0x175: {  	p0 =	sne.s32 s0, $0x0;
	s0 =	rddreg [dreg:$0x3]  }
0x176: {  	s0 =	sadd.s32 @!p0 $0x100000, s0  }
0x177: {  	[sflag:s0] =	ssyncadd.tile.s32 @!p0 $0x1;
	_ =	shalt  }
.Lfunc_end2:
_tile_overlayer_lowered:
.L_overlay_start_2:
0x178: {  	(tag) =	ssettag $0x2  }
0x179: {  	s0 =	rddreg [dreg:$0x0];
	s2 =	stileid.u32  }
0x17a: {  	s1 =	rddreg [dreg:$0x1];
	p0 =	sne.s32 s2, $0x0  }
0x17b: {  	s3 =	rddreg [dreg:$0x2];
	[bflag:$0x3] =	sbarrier.arrive $0xFFFF;
	s2 =	simm.s32 @!p0 $0x1C07  }
0x17c: {  	[timem:s3], [sflag:s2] =	dma.local @!p0 [hbm:s0], s1  }
0x17d: {  	s0 =	simm.s32 @!p0 $0x7  }
0x17e: {  	_ =	swait.ge @!p0 [sflag:s0], s1  }
0x17f: {  	s1 =	ssub.s32 @!p0 $0x0, s1;
	[sflag:s0] =	ssyncset.done @!p0 $0x0  }
0x180: {  	[sflag:s0] =	ssyncadd.s32 @!p0 s1  }
0x181: {  	[bflag:$0x3] =	sbarrier.arrive $0xFFFF  }
0x182: {  	_ =	shalt  }

</sc_bundles>
